<compile_context>
chip_gen: v7x
topology: tpu7x:2x2x1
jax: 0.10.2.dev20260603
libtpu: 0.0.44.dev20260713+nightly
codegen_flags: <defaults>
</compile_context>

<pallas_src>
import functools

import jax
import jax.numpy as jnp
from jax import lax
from jax.experimental import pallas as pl
from jax.experimental.pallas import tpu as pltpu
from jax.experimental.pallas import tpu_sc as plsc

N_NODES = 10000
N_EDGES = 320000
D = 128

NC = 2
NS = 16
NW = NC * NS
N_PAD = 10240
RPT = N_PAD // NS
EPW = N_EDGES // NW
WIN = 80
NWIN = 126
EPW_P = NWIN * WIN
NBUF = 2


def _sc_aggregate_body(with_cnt, src_ref, dst_ref, h_ref, zrow_ref, zcnt_ref,
                       agg_out, cnt_out, src_all, dst_all, rows0, rows1,
                       ones, acc, cacc, sem0, sem1):
  c = lax.axis_index("c")
  s = lax.axis_index("s")
  wid = c * NS + s

  pltpu.sync_copy(src_ref.at[wid], src_all)
  pltpu.sync_copy(dst_ref.at[wid], dst_all)
  pltpu.sync_copy(zrow_ref.at[pl.ds(s * RPT, RPT)],
                  acc.at[pl.ds(s * RPT, RPT)])
  if with_cnt:
    pltpu.sync_copy(zcnt_ref.at[pl.ds(s * RPT, RPT)],
                    cacc.at[pl.ds(s * RPT, RPT)])
    def fill(i, _):
      ones[pl.ds(i * 16, 16)] = jnp.full((16,), 1.0, jnp.float32)
      return 0
    lax.fori_loop(0, WIN // 16, fill, 0)
  plsc.subcore_barrier()

  bufs = (rows0, rows1)
  semt = (sem0, sem1)

  def sidx(w):
    return src_all.at[pl.ds(w * WIN, WIN)]

  for b in range(NBUF):
    pltpu.async_copy(h_ref.at[sidx(b)], bufs[b], semt[b])

  @pl.loop(0, NWIN - NBUF, step=NBUF)
  def _(g):
    for b in range(NBUF):
      w = g + b
      pltpu.make_async_copy(h_ref.at[sidx(w)], bufs[b], semt[b]).wait()
      pltpu.sync_copy(bufs[b], acc.at[dst_all.at[w]], add=True)
      if with_cnt:
        pltpu.sync_copy(ones, cacc.at[dst_all.at[w]], add=True)
      pltpu.async_copy(h_ref.at[sidx(w + NBUF)], bufs[b], semt[b])

  for b in range(NBUF):
    w = NWIN - NBUF + b
    pltpu.make_async_copy(h_ref.at[sidx(w)], bufs[b], semt[b]).wait()
    pltpu.sync_copy(bufs[b], acc.at[dst_all.at[w]], add=True)
    if with_cnt:
      pltpu.sync_copy(ones, cacc.at[dst_all.at[w]], add=True)

  plsc.subcore_barrier()

  pltpu.sync_copy(acc.at[pl.ds(s * RPT, RPT)],
                  agg_out.at[c, pl.ds(s * RPT, RPT)])
  if with_cnt:
    pltpu.sync_copy(cacc.at[pl.ds(s * RPT, RPT)],
                    cnt_out.at[c, pl.ds(s * RPT, RPT)])


def _make_sc_aggregate(with_cnt):
  mesh = plsc.VectorSubcoreMesh(core_axis_name="c", subcore_axis_name="s")
  out_type = (
      jax.ShapeDtypeStruct((NC, N_PAD, D), jnp.float32),
      jax.ShapeDtypeStruct((NC, N_PAD), jnp.float32),
  )
  scratch = [
      pltpu.VMEM((EPW_P,), jnp.int32),
      pltpu.VMEM((NWIN, WIN), jnp.int32),
      pltpu.VMEM((WIN, D), jnp.float32),
      pltpu.VMEM((WIN, D), jnp.float32),
      pltpu.VMEM((WIN,), jnp.float32),
      pltpu.VMEM_SHARED((N_PAD, D), jnp.float32),
      pltpu.VMEM_SHARED((N_PAD,), jnp.float32),
      pltpu.SemaphoreType.DMA,
      pltpu.SemaphoreType.DMA,
  ]
  return pl.kernel(
      functools.partial(_sc_aggregate_body, with_cnt),
      out_type=out_type,
      mesh=mesh,
      scratch_types=scratch,
      name="sage_sc_aggregate",
  )


_sc_aggregate_cnt = _make_sc_aggregate(True)
_sc_aggregate_nocnt = _make_sc_aggregate(False)

BLK = 1280


def _tc_pre_body(h_ref, wr_ref, b_ref, out_ref):
  p = lax.dot_general(h_ref[...], wr_ref[...], (((1,), (1,)), ((), ())),
                      preferred_element_type=jnp.float32)
  out_ref[...] = p + b_ref[...][None, :]


def _tc_comb1_body(aggp_ref, cntp_ref, pre_ref, w1l_ref, out_ref):
  agg = aggp_ref[0] + aggp_ref[1]
  cnt = cntp_ref[0] + cntp_ref[1]
  inv = 1.0 / jnp.maximum(cnt, 1.0)
  mean = agg * inv
  h = lax.dot_general(mean, w1l_ref[...], (((1,), (1,)), ((), ())),
                      preferred_element_type=jnp.float32)
  out_ref[...] = jnp.maximum(h + pre_ref[...], 0.0)


def _tc_comb2_body(aggp_ref, cntp_ref, pre_ref, w2l_ref, wout_ref, bout_ref,
                   out_ref):
  agg = aggp_ref[0] + aggp_ref[1]
  cnt = cntp_ref[0] + cntp_ref[1]
  inv = 1.0 / jnp.maximum(cnt, 1.0)
  mean = agg * inv
  h = lax.dot_general(mean, w2l_ref[...], (((1,), (1,)), ((), ())),
                      preferred_element_type=jnp.float32)
  h = jnp.maximum(h + pre_ref[...], 0.0)
  out = lax.dot_general(h, wout_ref[...], (((1,), (1,)), ((), ())),
                        preferred_element_type=jnp.float32)
  out_ref[...] = out + bout_ref[...][None, :]


_agg_spec = pl.BlockSpec((NC, BLK, D), lambda i: (0, i, 0))
_cnt_spec = pl.BlockSpec((NC, BLK, 1), lambda i: (0, i, 0))
_h_spec = pl.BlockSpec((BLK, D), lambda i: (i, 0))
_w_spec = pl.BlockSpec((D, D), lambda i: (0, 0))
_b_spec = pl.BlockSpec((D,), lambda i: (0,))

_tc_pre = pl.pallas_call(
    _tc_pre_body,
    grid=(N_PAD // BLK,),
    in_specs=[_h_spec, _w_spec, _b_spec],
    out_specs=_h_spec,
    out_shape=jax.ShapeDtypeStruct((N_PAD, D), jnp.float32),
)

_tc_comb1 = pl.pallas_call(
    _tc_comb1_body,
    grid=(N_PAD // BLK,),
    in_specs=[_agg_spec, _cnt_spec, _h_spec, _w_spec],
    out_specs=_h_spec,
    out_shape=jax.ShapeDtypeStruct((N_PAD, D), jnp.float32),
)

_tc_comb2 = pl.pallas_call(
    _tc_comb2_body,
    grid=(N_PAD // BLK,),
    in_specs=[_agg_spec, _cnt_spec, _h_spec, _w_spec, _w_spec, _b_spec],
    out_specs=_h_spec,
    out_shape=jax.ShapeDtypeStruct((N_PAD, D), jnp.float32),
)


@jax.jit
def kernel(x, edge_index, W1l, b1, W1r, W2l, b2, W2r, Wout, bout):
  edges = edge_index.astype(jnp.int32)
  n_pad_edges = EPW_P - EPW
  src_pad = jnp.zeros((NW, n_pad_edges), jnp.int32)
  dpad = N_NODES + (jnp.arange(NW * n_pad_edges, dtype=jnp.int32)
                    % (N_PAD - N_NODES))
  dst_pad = dpad.reshape(NW, n_pad_edges)
  src = jnp.concatenate([edges[0].reshape(NW, EPW), src_pad], axis=1)
  dst = jnp.concatenate([edges[1].reshape(NW, EPW), dst_pad],
                        axis=1).reshape(NW, NWIN, WIN)
  xp = jnp.zeros((N_PAD, D), jnp.float32).at[:N_NODES].set(x)
  zrow = jnp.zeros((N_PAD, D), jnp.float32)
  zcnt = jnp.zeros((N_PAD,), jnp.float32)

  aggp1, cntp = _sc_aggregate_cnt(src, dst, xp, zrow, zcnt)
  pre1 = _tc_pre(xp, W1r, b1)
  cntp3 = cntp.reshape(NC, N_PAD, 1)
  h1 = _tc_comb1(aggp1, cntp3, pre1, W1l)

  aggp2, _ = _sc_aggregate_nocnt(src, dst, h1, zrow, zcnt)
  pre2 = _tc_pre(h1, W2r, b2)
  out = _tc_comb2(aggp2, cntp3, pre2, W2l, Wout, bout)
  return out[:N_NODES]

# --- scband reference (transcript-rebuilt; emitter-appended) ---
"""Pipeline reference for scband-sage-27212912788332 (READ-ONLY COPY).

The authoritative reference and input builder live on the scoring server;
editing this copy changes nothing except your own understanding.
"""

import jax, jax.numpy as jnp
import numpy as np

N_NODES = 10000
N_EDGES = 320000
D_IN = 128
D_HID = 128
D_OUT = 128


def setup_inputs(seed: int = 0) -> dict:
    key = jax.random.key(seed)
    ks = jax.random.split(key, 10)
    x = jax.random.normal(ks[0], (N_NODES, D_IN), dtype=jnp.float32)
    edge_index = jax.random.randint(ks[1], (2, N_EDGES), 0, N_NODES, dtype=jnp.int64)
    s = 1.0 / np.sqrt(D_IN)
    W1l = jax.random.uniform(ks[2], (D_HID, D_IN), minval=-s, maxval=s, dtype=jnp.float32)
    b1 = jnp.zeros((D_HID,), dtype=jnp.float32)
    W1r = jax.random.uniform(ks[3], (D_HID, D_IN), minval=-s, maxval=s, dtype=jnp.float32)
    s2 = 1.0 / np.sqrt(D_HID)
    W2l = jax.random.uniform(ks[4], (D_HID, D_HID), minval=-s2, maxval=s2, dtype=jnp.float32)
    b2 = jnp.zeros((D_HID,), dtype=jnp.float32)
    W2r = jax.random.uniform(ks[5], (D_HID, D_HID), minval=-s2, maxval=s2, dtype=jnp.float32)
    Wout = jax.random.uniform(ks[6], (D_OUT, D_HID), minval=-s2, maxval=s2, dtype=jnp.float32)
    bout = jax.random.uniform(ks[7], (D_OUT,), minval=-s2, maxval=s2, dtype=jnp.float32)
    return {"x": x, "edge_index": edge_index, "W1l": W1l, "b1": b1, "W1r": W1r,
            "W2l": W2l, "b2": b2, "W2r": W2r, "Wout": Wout, "bout": bout}


def _sage_conv(x, edge_index, Wl, bl, Wr):
    # PyG SAGEConv with mean aggregation:
    # out = lin_l(mean_{j in N(i)} x_j) + lin_r(x_i)
    src = edge_index[0]
    dst = edge_index[1]
    msg = jnp.take(x, src, axis=0)
    agg = jax.ops.segment_sum(msg, dst, num_segments=N_NODES)
    cnt = jax.ops.segment_sum(jnp.ones((msg.shape[0],), dtype=x.dtype), dst, num_segments=N_NODES)
    mean = agg / jnp.clip(cnt, 1.0, None)[:, None]
    return mean @ Wl.T + bl + x @ Wr.T


def reference(x, edge_index, W1l, b1, W1r, W2l, b2, W2r, Wout, bout):
    h = _sage_conv(x, edge_index, W1l, b1, W1r)
    h = jax.nn.relu(h)
    h = _sage_conv(h, edge_index, W2l, b2, W2r)
    h = jax.nn.relu(h)
    out = h @ Wout.T + bout
    return out

if __name__ == "__main__":
    import jax
    _d = setup_inputs()
    print(jax.jit(kernel)(*tuple(_d.values())))

</pallas_src>

<mosaic_0001>
#map = affine_map<(d0, d1) -> (0, 0)>
#map1 = affine_map<(d0, d1) -> (0, 0, 0)>
#map2 = affine_map<(d0, d1) -> (0)>
module attributes {stable_mosaic.version = 14 : i64} {
  func.func @sage_sc_aggregate(%arg0: i32, %arg1: i32, %arg2: memref<32x10080xi32, #tpu.memory_space<hbm>>, %arg3: memref<32x126x80xi32, #tpu.memory_space<hbm>>, %arg4: memref<10240x128xf32, #tpu.memory_space<hbm>>, %arg5: memref<10240x128xf32, #tpu.memory_space<hbm>>, %arg6: memref<10240xf32, #tpu.memory_space<hbm>>, %arg7: memref<2x10240x128xf32, #tpu.memory_space<hbm>>, %arg8: memref<2x10240xf32, #tpu.memory_space<hbm>>, %arg9: memref<10080xi32, #tpu.memory_space<vmem>>, %arg10: memref<126x80xi32, #tpu.memory_space<vmem>>, %arg11: memref<80x128xf32, #tpu.memory_space<vmem>>, %arg12: memref<80x128xf32, #tpu.memory_space<vmem>>, %arg13: memref<80xf32, #tpu.memory_space<vmem>>, %arg14: memref<10240x128xf32, #tpu.memory_space<vmem_shared>>, %arg15: memref<10240xf32, #tpu.memory_space<vmem_shared>>, %arg16: memref<!tpu.dma_semaphore, #tpu.memory_space<semaphore_mem>>, %arg17: memref<!tpu.dma_semaphore, #tpu.memory_space<semaphore_mem>>) attributes {dimension_semantics = [#tpu.dimension_semantics<core_parallel>, #tpu.dimension_semantics<subcore_parallel>], iteration_bounds = array<i64: 2, 16>, scalar_prefetch = 0 : i64, scratch_operands = 9 : i64, tpu.core_type = #tpu.core_type<sc_vector_subcore>, window_params = [{transform_indices = #map}, {transform_indices = #map1}, {transform_indices = #map}, {transform_indices = #map}, {transform_indices = #map2}, {transform_indices = #map1}, {transform_indices = #map}]} {
    %mul3A = arith.constant 16 : i32
    %mul3A_0 = arith.muli %arg0, %mul3A : i32
    %add3A = arith.addi %mul3A_0, %arg1 : i32
    "tpu.region"() ({
      %run_scoped3A_33 = tpu.sem_alloc : memref<!tpu.dma_semaphore, #tpu.memory_space<semaphore_mem>>
      %dma_start3A_34 = arith.constant 0 : i32
      %dma_start3A_35 = tpu.memref_slice %arg2[%add3A, %dma_start3A_34] : memref<32x10080xi32, #tpu.memory_space<hbm>> -> memref<1x10080xi32, #tpu.memory_space<hbm>>
      %dma_start3A_36 = tpu.memref_squeeze %dma_start3A_35 : memref<1x10080xi32, #tpu.memory_space<hbm>> -> memref<10080xi32, #tpu.memory_space<hbm>>
      %dma_start3A_37 = arith.constant 0 : i32
      %dma_start3A_38 = tpu.memref_slice %arg2[%add3A, %dma_start3A_37] : memref<32x10080xi32, #tpu.memory_space<hbm>> -> memref<1x10080xi32, #tpu.memory_space<hbm>>
      %dma_start3A_39 = tpu.memref_squeeze %dma_start3A_38 : memref<1x10080xi32, #tpu.memory_space<hbm>> -> memref<10080xi32, #tpu.memory_space<hbm>>
      tpu.enqueue_dma source(%dma_start3A_39 : memref<10080xi32, #tpu.memory_space<hbm>>) target(%arg9 : memref<10080xi32, #tpu.memory_space<vmem>>) target_semaphore(%run_scoped3A_33 : memref<!tpu.dma_semaphore, #tpu.memory_space<semaphore_mem>>)
      %dma_wait3A_40 = arith.constant 0 : i32
      %dma_wait3A_41 = tpu.memref_slice %arg2[%add3A, %dma_wait3A_40] : memref<32x10080xi32, #tpu.memory_space<hbm>> -> memref<1x10080xi32, #tpu.memory_space<hbm>>
      %dma_wait3A_42 = tpu.memref_squeeze %dma_wait3A_41 : memref<1x10080xi32, #tpu.memory_space<hbm>> -> memref<10080xi32, #tpu.memory_space<hbm>>
      %dma_wait3A_43 = arith.constant 0 : i32
      %dma_wait3A_44 = tpu.memref_slice %arg2[%add3A, %dma_wait3A_43] : memref<32x10080xi32, #tpu.memory_space<hbm>> -> memref<1x10080xi32, #tpu.memory_space<hbm>>
      %dma_wait3A_45 = tpu.memref_squeeze %dma_wait3A_44 : memref<1x10080xi32, #tpu.memory_space<hbm>> -> memref<10080xi32, #tpu.memory_space<hbm>>
      tpu.wait_dma2 semaphore(%run_scoped3A_33 : memref<!tpu.dma_semaphore, #tpu.memory_space<semaphore_mem>>) src(%dma_wait3A_45 : memref<10080xi32, #tpu.memory_space<hbm>>) dst(%arg9 : memref<10080xi32, #tpu.memory_space<vmem>>)
      tpu.yield
    }) : () -> ()
    "tpu.region"() ({
      %run_scoped3A_33 = tpu.sem_alloc : memref<!tpu.dma_semaphore, #tpu.memory_space<semaphore_mem>>
      %dma_start3A_34 = arith.constant 0 : i32
      %dma_start3A_35 = arith.constant 0 : i32
      %dma_start3A_36 = tpu.memref_slice %arg3[%add3A, %dma_start3A_34, %dma_start3A_35] : memref<32x126x80xi32, #tpu.memory_space<hbm>> -> memref<1x126x80xi32, #tpu.memory_space<hbm>>
      %dma_start3A_37 = tpu.memref_squeeze %dma_start3A_36 : memref<1x126x80xi32, #tpu.memory_space<hbm>> -> memref<126x80xi32, #tpu.memory_space<hbm>>
      %dma_start3A_38 = arith.constant 0 : i32
      %dma_start3A_39 = arith.constant 0 : i32
      %dma_start3A_40 = tpu.memref_slice %arg3[%add3A, %dma_start3A_38, %dma_start3A_39] : memref<32x126x80xi32, #tpu.memory_space<hbm>> -> memref<1x126x80xi32, #tpu.memory_space<hbm>>
      %dma_start3A_41 = tpu.memref_squeeze %dma_start3A_40 : memref<1x126x80xi32, #tpu.memory_space<hbm>> -> memref<126x80xi32, #tpu.memory_space<hbm>>
      tpu.enqueue_dma source(%dma_start3A_41 : memref<126x80xi32, #tpu.memory_space<hbm>>) target(%arg10 : memref<126x80xi32, #tpu.memory_space<vmem>>) target_semaphore(%run_scoped3A_33 : memref<!tpu.dma_semaphore, #tpu.memory_space<semaphore_mem>>)
      %dma_wait3A_42 = arith.constant 0 : i32
      %dma_wait3A_43 = arith.constant 0 : i32
      %dma_wait3A_44 = tpu.memref_slice %arg3[%add3A, %dma_wait3A_42, %dma_wait3A_43] : memref<32x126x80xi32, #tpu.memory_space<hbm>> -> memref<1x126x80xi32, #tpu.memory_space<hbm>>
      %dma_wait3A_45 = tpu.memref_squeeze %dma_wait3A_44 : memref<1x126x80xi32, #tpu.memory_space<hbm>> -> memref<126x80xi32, #tpu.memory_space<hbm>>
      %dma_wait3A_46 = arith.constant 0 : i32
      %dma_wait3A_47 = arith.constant 0 : i32
      %dma_wait3A_48 = tpu.memref_slice %arg3[%add3A, %dma_wait3A_46, %dma_wait3A_47] : memref<32x126x80xi32, #tpu.memory_space<hbm>> -> memref<1x126x80xi32, #tpu.memory_space<hbm>>
      %dma_wait3A_49 = tpu.memref_squeeze %dma_wait3A_48 : memref<1x126x80xi32, #tpu.memory_space<hbm>> -> memref<126x80xi32, #tpu.memory_space<hbm>>
      tpu.wait_dma2 semaphore(%run_scoped3A_33 : memref<!tpu.dma_semaphore, #tpu.memory_space<semaphore_mem>>) src(%dma_wait3A_49 : memref<126x80xi32, #tpu.memory_space<hbm>>) dst(%arg10 : memref<126x80xi32, #tpu.memory_space<vmem>>)
      tpu.yield
    }) : () -> ()
    %mul3A_1 = arith.constant 640 : i32
    %mul3A_2 = arith.muli %arg1, %mul3A_1 : i32
    %mul3A_3 = arith.constant 640 : i32
    %mul3A_4 = arith.muli %arg1, %mul3A_3 : i32
    "tpu.region"() ({
      %run_scoped3A_33 = tpu.sem_alloc : memref<!tpu.dma_semaphore, #tpu.memory_space<semaphore_mem>>
      %dma_start3A_34 = arith.constant 0 : i32
      %dma_start3A_35 = tpu.memref_slice %arg14[%mul3A_4, %dma_start3A_34] : memref<10240x128xf32, #tpu.memory_space<vmem_shared>> -> memref<640x128xf32, #tpu.memory_space<vmem_shared>>
      %dma_start3A_36 = arith.constant 0 : i32
      %dma_start3A_37 = tpu.memref_slice %arg5[%mul3A_2, %dma_start3A_36] : memref<10240x128xf32, #tpu.memory_space<hbm>> -> memref<640x128xf32, #tpu.memory_space<hbm>>
      tpu.enqueue_dma source(%dma_start3A_37 : memref<640x128xf32, #tpu.memory_space<hbm>>) target(%dma_start3A_35 : memref<640x128xf32, #tpu.memory_space<vmem_shared>>) target_semaphore(%run_scoped3A_33 : memref<!tpu.dma_semaphore, #tpu.memory_space<semaphore_mem>>)
      %dma_wait3A_38 = arith.constant 0 : i32
      %dma_wait3A_39 = tpu.memref_slice %arg14[%mul3A_4, %dma_wait3A_38] : memref<10240x128xf32, #tpu.memory_space<vmem_shared>> -> memref<640x128xf32, #tpu.memory_space<vmem_shared>>
      %dma_wait3A_40 = arith.constant 0 : i32
      %dma_wait3A_41 = tpu.memref_slice %arg5[%mul3A_2, %dma_wait3A_40] : memref<10240x128xf32, #tpu.memory_space<hbm>> -> memref<640x128xf32, #tpu.memory_space<hbm>>
      tpu.wait_dma2 semaphore(%run_scoped3A_33 : memref<!tpu.dma_semaphore, #tpu.memory_space<semaphore_mem>>) src(%dma_wait3A_41 : memref<640x128xf32, #tpu.memory_space<hbm>>) dst(%dma_wait3A_39 : memref<640x128xf32, #tpu.memory_space<vmem_shared>>)
      tpu.yield
    }) : () -> ()
    %barrier3A = arith.constant 0 : index
    tpu.barrier barrier_id(%barrier3A)
    %dma_start3A = arith.constant 0 : i32
    %dma_start3A_5 = tpu.memref_slice %arg9[%dma_start3A] : memref<10080xi32, #tpu.memory_space<vmem>> -> memref<80xi32, #tpu.memory_space<vmem>>
    %dma_start3A_6 = arith.constant 0 : i32
    %dma_start3A_7 = arith.constant 0 : i32
    %dma_start3A_8 = tpu.memref_slice %arg4[%dma_start3A_6, %dma_start3A_7] : memref<10240x128xf32, #tpu.memory_space<hbm>> -> memref<10240x128xf32, #tpu.memory_space<hbm>>
    tpu.enqueue_indirect_dma source(%dma_start3A_8 : memref<10240x128xf32, #tpu.memory_space<hbm>>) target(%arg11 : memref<80x128xf32, #tpu.memory_space<vmem>>) offsets(%dma_start3A_5 : memref<80xi32, #tpu.memory_space<vmem>>) semaphore(%arg16 : memref<!tpu.dma_semaphore, #tpu.memory_space<semaphore_mem>>)
    %dma_start3A_9 = arith.constant 80 : i32
    %dma_start3A_10 = tpu.memref_slice %arg9[%dma_start3A_9] : memref<10080xi32, #tpu.memory_space<vmem>> -> memref<80xi32, #tpu.memory_space<vmem>>
    %dma_start3A_11 = arith.constant 0 : i32
    %dma_start3A_12 = arith.constant 0 : i32
    %dma_start3A_13 = tpu.memref_slice %arg4[%dma_start3A_11, %dma_start3A_12] : memref<10240x128xf32, #tpu.memory_space<hbm>> -> memref<10240x128xf32, #tpu.memory_space<hbm>>
    tpu.enqueue_indirect_dma source(%dma_start3A_13 : memref<10240x128xf32, #tpu.memory_space<hbm>>) target(%arg12 : memref<80x128xf32, #tpu.memory_space<vmem>>) offsets(%dma_start3A_10 : memref<80xi32, #tpu.memory_space<vmem>>) semaphore(%arg17 : memref<!tpu.dma_semaphore, #tpu.memory_space<semaphore_mem>>)
    %scan3A = arith.constant 0 : i32
    %scan3A_14 = arith.constant 62 : i32
    %scan3A_15 = arith.addi %scan3A, %scan3A_14 : i32
    %scan3A_16 = arith.constant 1 : i32
    scf.for %scan3A_33 = %scan3A to %scan3A_15 step %scan3A_16  : i32 {
      %mul3A_34 = arith.constant 2 : i32
      %mul3A_35 = arith.muli %scan3A_33, %mul3A_34 : i32
      %add3A_36 = arith.constant 0 : i32
      %add3A_37 = arith.addi %add3A_36, %mul3A_35 : i32
      %add3A_38 = arith.constant 0 : i32
      %add3A_39 = arith.addi %add3A_37, %add3A_38 : i32
      %mul3A_40 = arith.constant 80 : i32
      %mul3A_41 = arith.muli %add3A_39, %mul3A_40 : i32
      %dma_wait3A_42 = tpu.memref_slice %arg9[%mul3A_41] : memref<10080xi32, #tpu.memory_space<vmem>> -> memref<80xi32, #tpu.memory_space<vmem>>
      %dma_wait3A_43 = arith.constant 0 : i32
      %dma_wait3A_44 = arith.constant 0 : i32
      %dma_wait3A_45 = tpu.memref_slice %arg4[%dma_wait3A_43, %dma_wait3A_44] : memref<10240x128xf32, #tpu.memory_space<hbm>> -> memref<10240x128xf32, #tpu.memory_space<hbm>>
      tpu.wait_indirect_dma semaphore(%arg16 : memref<!tpu.dma_semaphore, #tpu.memory_space<semaphore_mem>>) src(%dma_wait3A_45 : memref<10240x128xf32, #tpu.memory_space<hbm>>) dst(%arg11 : memref<80x128xf32, #tpu.memory_space<vmem>>)
      "tpu.region"() ({
        %run_scoped3A_70 = tpu.sem_alloc : memref<!tpu.dma_semaphore, #tpu.memory_space<semaphore_mem>>
        %dma_start3A_71 = arith.constant 0 : i32
        %dma_start3A_72 = tpu.memref_slice %arg10[%add3A_39, %dma_start3A_71] : memref<126x80xi32, #tpu.memory_space<vmem>> -> memref<1x80xi32, #tpu.memory_space<vmem>>
        %dma_start3A_73 = tpu.memref_squeeze %dma_start3A_72 : memref<1x80xi32, #tpu.memory_space<vmem>> -> memref<80xi32, #tpu.memory_space<vmem>>
        %dma_start3A_74 = arith.constant 0 : i32
        %dma_start3A_75 = arith.constant 0 : i32
        %dma_start3A_76 = tpu.memref_slice %arg14[%dma_start3A_74, %dma_start3A_75] : memref<10240x128xf32, #tpu.memory_space<vmem_shared>> -> memref<10240x128xf32, #tpu.memory_space<vmem_shared>>
        tpu.enqueue_indirect_dma source(%arg11 : memref<80x128xf32, #tpu.memory_space<vmem>>) target(%dma_start3A_76 : memref<10240x128xf32, #tpu.memory_space<vmem_shared>>) offsets(%dma_start3A_73 : memref<80xi32, #tpu.memory_space<vmem>>) semaphore(%run_scoped3A_70 : memref<!tpu.dma_semaphore, #tpu.memory_space<semaphore_mem>>) {add = true}
        %dma_wait3A_77 = arith.constant 0 : i32
        %dma_wait3A_78 = tpu.memref_slice %arg10[%add3A_39, %dma_wait3A_77] : memref<126x80xi32, #tpu.memory_space<vmem>> -> memref<1x80xi32, #tpu.memory_space<vmem>>
        %dma_wait3A_79 = tpu.memref_squeeze %dma_wait3A_78 : memref<1x80xi32, #tpu.memory_space<vmem>> -> memref<80xi32, #tpu.memory_space<vmem>>
        %dma_wait3A_80 = arith.constant 0 : i32
        %dma_wait3A_81 = arith.constant 0 : i32
        %dma_wait3A_82 = tpu.memref_slice %arg14[%dma_wait3A_80, %dma_wait3A_81] : memref<10240x128xf32, #tpu.memory_space<vmem_shared>> -> memref<10240x128xf32, #tpu.memory_space<vmem_shared>>
        tpu.wait_indirect_dma semaphore(%run_scoped3A_70 : memref<!tpu.dma_semaphore, #tpu.memory_space<semaphore_mem>>) src(%arg11 : memref<80x128xf32, #tpu.memory_space<vmem>>) dst(%dma_wait3A_82 : memref<10240x128xf32, #tpu.memory_space<vmem_shared>>)
        tpu.yield
      }) : () -> ()
      %add3A_46 = arith.constant 2 : i32
      %add3A_47 = arith.addi %add3A_39, %add3A_46 : i32
      %mul3A_48 = arith.constant 80 : i32
      %mul3A_49 = arith.muli %add3A_47, %mul3A_48 : i32
      %dma_start3A_50 = tpu.memref_slice %arg9[%mul3A_49] : memref<10080xi32, #tpu.memory_space<vmem>> -> memref<80xi32, #tpu.memory_space<vmem>>
      %dma_start3A_51 = arith.constant 0 : i32
      %dma_start3A_52 = arith.constant 0 : i32
      %dma_start3A_53 = tpu.memref_slice %arg4[%dma_start3A_51, %dma_start3A_52] : memref<10240x128xf32, #tpu.memory_space<hbm>> -> memref<10240x128xf32, #tpu.memory_space<hbm>>
      tpu.enqueue_indirect_dma source(%dma_start3A_53 : memref<10240x128xf32, #tpu.memory_space<hbm>>) target(%arg11 : memref<80x128xf32, #tpu.memory_space<vmem>>) offsets(%dma_start3A_50 : memref<80xi32, #tpu.memory_space<vmem>>) semaphore(%arg16 : memref<!tpu.dma_semaphore, #tpu.memory_space<semaphore_mem>>)
      %add3A_54 = arith.constant 1 : i32
      %add3A_55 = arith.addi %add3A_37, %add3A_54 : i32
      %mul3A_56 = arith.constant 80 : i32
      %mul3A_57 = arith.muli %add3A_55, %mul3A_56 : i32
      %dma_wait3A_58 = tpu.memref_slice %arg9[%mul3A_57] : memref<10080xi32, #tpu.memory_space<vmem>> -> memref<80xi32, #tpu.memory_space<vmem>>
      %dma_wait3A_59 = arith.constant 0 : i32
      %dma_wait3A_60 = arith.constant 0 : i32
      %dma_wait3A_61 = tpu.memref_slice %arg4[%dma_wait3A_59, %dma_wait3A_60] : memref<10240x128xf32, #tpu.memory_space<hbm>> -> memref<10240x128xf32, #tpu.memory_space<hbm>>
      tpu.wait_indirect_dma semaphore(%arg17 : memref<!tpu.dma_semaphore, #tpu.memory_space<semaphore_mem>>) src(%dma_wait3A_61 : memref<10240x128xf32, #tpu.memory_space<hbm>>) dst(%arg12 : memref<80x128xf32, #tpu.memory_space<vmem>>)
      "tpu.region"() ({
        %run_scoped3A_70 = tpu.sem_alloc : memref<!tpu.dma_semaphore, #tpu.memory_space<semaphore_mem>>
        %dma_start3A_71 = arith.constant 0 : i32
        %dma_start3A_72 = tpu.memref_slice %arg10[%add3A_55, %dma_start3A_71] : memref<126x80xi32, #tpu.memory_space<vmem>> -> memref<1x80xi32, #tpu.memory_space<vmem>>
        %dma_start3A_73 = tpu.memref_squeeze %dma_start3A_72 : memref<1x80xi32, #tpu.memory_space<vmem>> -> memref<80xi32, #tpu.memory_space<vmem>>
        %dma_start3A_74 = arith.constant 0 : i32
        %dma_start3A_75 = arith.constant 0 : i32
        %dma_start3A_76 = tpu.memref_slice %arg14[%dma_start3A_74, %dma_start3A_75] : memref<10240x128xf32, #tpu.memory_space<vmem_shared>> -> memref<10240x128xf32, #tpu.memory_space<vmem_shared>>
        tpu.enqueue_indirect_dma source(%arg12 : memref<80x128xf32, #tpu.memory_space<vmem>>) target(%dma_start3A_76 : memref<10240x128xf32, #tpu.memory_space<vmem_shared>>) offsets(%dma_start3A_73 : memref<80xi32, #tpu.memory_space<vmem>>) semaphore(%run_scoped3A_70 : memref<!tpu.dma_semaphore, #tpu.memory_space<semaphore_mem>>) {add = true}
        %dma_wait3A_77 = arith.constant 0 : i32
        %dma_wait3A_78 = tpu.memref_slice %arg10[%add3A_55, %dma_wait3A_77] : memref<126x80xi32, #tpu.memory_space<vmem>> -> memref<1x80xi32, #tpu.memory_space<vmem>>
        %dma_wait3A_79 = tpu.memref_squeeze %dma_wait3A_78 : memref<1x80xi32, #tpu.memory_space<vmem>> -> memref<80xi32, #tpu.memory_space<vmem>>
        %dma_wait3A_80 = arith.constant 0 : i32
        %dma_wait3A_81 = arith.constant 0 : i32
        %dma_wait3A_82 = tpu.memref_slice %arg14[%dma_wait3A_80, %dma_wait3A_81] : memref<10240x128xf32, #tpu.memory_space<vmem_shared>> -> memref<10240x128xf32, #tpu.memory_space<vmem_shared>>
        tpu.wait_indirect_dma semaphore(%run_scoped3A_70 : memref<!tpu.dma_semaphore, #tpu.memory_space<semaphore_mem>>) src(%arg12 : memref<80x128xf32, #tpu.memory_space<vmem>>) dst(%dma_wait3A_82 : memref<10240x128xf32, #tpu.memory_space<vmem_shared>>)
        tpu.yield
      }) : () -> ()
      %add3A_62 = arith.constant 2 : i32
      %add3A_63 = arith.addi %add3A_55, %add3A_62 : i32
      %mul3A_64 = arith.constant 80 : i32
      %mul3A_65 = arith.muli %add3A_63, %mul3A_64 : i32
      %dma_start3A_66 = tpu.memref_slice %arg9[%mul3A_65] : memref<10080xi32, #tpu.memory_space<vmem>> -> memref<80xi32, #tpu.memory_space<vmem>>
      %dma_start3A_67 = arith.constant 0 : i32
      %dma_start3A_68 = arith.constant 0 : i32
      %dma_start3A_69 = tpu.memref_slice %arg4[%dma_start3A_67, %dma_start3A_68] : memref<10240x128xf32, #tpu.memory_space<hbm>> -> memref<10240x128xf32, #tpu.memory_space<hbm>>
      tpu.enqueue_indirect_dma source(%dma_start3A_69 : memref<10240x128xf32, #tpu.memory_space<hbm>>) target(%arg12 : memref<80x128xf32, #tpu.memory_space<vmem>>) offsets(%dma_start3A_66 : memref<80xi32, #tpu.memory_space<vmem>>) semaphore(%arg17 : memref<!tpu.dma_semaphore, #tpu.memory_space<semaphore_mem>>)
    }
    %scan3A_17 = arith.constant 62 : i32
    %dma_wait3A = arith.constant 9920 : i32
    %dma_wait3A_18 = tpu.memref_slice %arg9[%dma_wait3A] : memref<10080xi32, #tpu.memory_space<vmem>> -> memref<80xi32, #tpu.memory_space<vmem>>
    %dma_wait3A_19 = arith.constant 0 : i32
    %dma_wait3A_20 = arith.constant 0 : i32
    %dma_wait3A_21 = tpu.memref_slice %arg4[%dma_wait3A_19, %dma_wait3A_20] : memref<10240x128xf32, #tpu.memory_space<hbm>> -> memref<10240x128xf32, #tpu.memory_space<hbm>>
    tpu.wait_indirect_dma semaphore(%arg16 : memref<!tpu.dma_semaphore, #tpu.memory_space<semaphore_mem>>) src(%dma_wait3A_21 : memref<10240x128xf32, #tpu.memory_space<hbm>>) dst(%arg11 : memref<80x128xf32, #tpu.memory_space<vmem>>)
    %run_scoped3A = arith.constant 124 : i32
    "tpu.region"() ({
      %run_scoped3A_33 = tpu.sem_alloc : memref<!tpu.dma_semaphore, #tpu.memory_space<semaphore_mem>>
      %dma_start3A_34 = arith.constant 0 : i32
      %dma_start3A_35 = tpu.memref_slice %arg10[%run_scoped3A, %dma_start3A_34] : memref<126x80xi32, #tpu.memory_space<vmem>> -> memref<1x80xi32, #tpu.memory_space<vmem>>
      %dma_start3A_36 = tpu.memref_squeeze %dma_start3A_35 : memref<1x80xi32, #tpu.memory_space<vmem>> -> memref<80xi32, #tpu.memory_space<vmem>>
      %dma_start3A_37 = arith.constant 0 : i32
      %dma_start3A_38 = arith.constant 0 : i32
      %dma_start3A_39 = tpu.memref_slice %arg14[%dma_start3A_37, %dma_start3A_38] : memref<10240x128xf32, #tpu.memory_space<vmem_shared>> -> memref<10240x128xf32, #tpu.memory_space<vmem_shared>>
      tpu.enqueue_indirect_dma source(%arg11 : memref<80x128xf32, #tpu.memory_space<vmem>>) target(%dma_start3A_39 : memref<10240x128xf32, #tpu.memory_space<vmem_shared>>) offsets(%dma_start3A_36 : memref<80xi32, #tpu.memory_space<vmem>>) semaphore(%run_scoped3A_33 : memref<!tpu.dma_semaphore, #tpu.memory_space<semaphore_mem>>) {add = true}
      %dma_wait3A_40 = arith.constant 0 : i32
      %dma_wait3A_41 = tpu.memref_slice %arg10[%run_scoped3A, %dma_wait3A_40] : memref<126x80xi32, #tpu.memory_space<vmem>> -> memref<1x80xi32, #tpu.memory_space<vmem>>
      %dma_wait3A_42 = tpu.memref_squeeze %dma_wait3A_41 : memref<1x80xi32, #tpu.memory_space<vmem>> -> memref<80xi32, #tpu.memory_space<vmem>>
      %dma_wait3A_43 = arith.constant 0 : i32
      %dma_wait3A_44 = arith.constant 0 : i32
      %dma_wait3A_45 = tpu.memref_slice %arg14[%dma_wait3A_43, %dma_wait3A_44] : memref<10240x128xf32, #tpu.memory_space<vmem_shared>> -> memref<10240x128xf32, #tpu.memory_space<vmem_shared>>
      tpu.wait_indirect_dma semaphore(%run_scoped3A_33 : memref<!tpu.dma_semaphore, #tpu.memory_space<semaphore_mem>>) src(%arg11 : memref<80x128xf32, #tpu.memory_space<vmem>>) dst(%dma_wait3A_45 : memref<10240x128xf32, #tpu.memory_space<vmem_shared>>)
      tpu.yield
    }) : () -> ()
    %dma_wait3A_22 = arith.constant 10000 : i32
    %dma_wait3A_23 = tpu.memref_slice %arg9[%dma_wait3A_22] : memref<10080xi32, #tpu.memory_space<vmem>> -> memref<80xi32, #tpu.memory_space<vmem>>
    %dma_wait3A_24 = arith.constant 0 : i32
    %dma_wait3A_25 = arith.constant 0 : i32
    %dma_wait3A_26 = tpu.memref_slice %arg4[%dma_wait3A_24, %dma_wait3A_25] : memref<10240x128xf32, #tpu.memory_space<hbm>> -> memref<10240x128xf32, #tpu.memory_space<hbm>>
    tpu.wait_indirect_dma semaphore(%arg17 : memref<!tpu.dma_semaphore, #tpu.memory_space<semaphore_mem>>) src(%dma_wait3A_26 : memref<10240x128xf32, #tpu.memory_space<hbm>>) dst(%arg12 : memref<80x128xf32, #tpu.memory_space<vmem>>)
    %run_scoped3A_27 = arith.constant 125 : i32
    "tpu.region"() ({
      %run_scoped3A_33 = tpu.sem_alloc : memref<!tpu.dma_semaphore, #tpu.memory_space<semaphore_mem>>
      %dma_start3A_34 = arith.constant 0 : i32
      %dma_start3A_35 = tpu.memref_slice %arg10[%run_scoped3A_27, %dma_start3A_34] : memref<126x80xi32, #tpu.memory_space<vmem>> -> memref<1x80xi32, #tpu.memory_space<vmem>>
      %dma_start3A_36 = tpu.memref_squeeze %dma_start3A_35 : memref<1x80xi32, #tpu.memory_space<vmem>> -> memref<80xi32, #tpu.memory_space<vmem>>
      %dma_start3A_37 = arith.constant 0 : i32
      %dma_start3A_38 = arith.constant 0 : i32
      %dma_start3A_39 = tpu.memref_slice %arg14[%dma_start3A_37, %dma_start3A_38] : memref<10240x128xf32, #tpu.memory_space<vmem_shared>> -> memref<10240x128xf32, #tpu.memory_space<vmem_shared>>
      tpu.enqueue_indirect_dma source(%arg12 : memref<80x128xf32, #tpu.memory_space<vmem>>) target(%dma_start3A_39 : memref<10240x128xf32, #tpu.memory_space<vmem_shared>>) offsets(%dma_start3A_36 : memref<80xi32, #tpu.memory_space<vmem>>) semaphore(%run_scoped3A_33 : memref<!tpu.dma_semaphore, #tpu.memory_space<semaphore_mem>>) {add = true}
      %dma_wait3A_40 = arith.constant 0 : i32
      %dma_wait3A_41 = tpu.memref_slice %arg10[%run_scoped3A_27, %dma_wait3A_40] : memref<126x80xi32, #tpu.memory_space<vmem>> -> memref<1x80xi32, #tpu.memory_space<vmem>>
      %dma_wait3A_42 = tpu.memref_squeeze %dma_wait3A_41 : memref<1x80xi32, #tpu.memory_space<vmem>> -> memref<80xi32, #tpu.memory_space<vmem>>
      %dma_wait3A_43 = arith.constant 0 : i32
      %dma_wait3A_44 = arith.constant 0 : i32
      %dma_wait3A_45 = tpu.memref_slice %arg14[%dma_wait3A_43, %dma_wait3A_44] : memref<10240x128xf32, #tpu.memory_space<vmem_shared>> -> memref<10240x128xf32, #tpu.memory_space<vmem_shared>>
      tpu.wait_indirect_dma semaphore(%run_scoped3A_33 : memref<!tpu.dma_semaphore, #tpu.memory_space<semaphore_mem>>) src(%arg12 : memref<80x128xf32, #tpu.memory_space<vmem>>) dst(%dma_wait3A_45 : memref<10240x128xf32, #tpu.memory_space<vmem_shared>>)
      tpu.yield
    }) : () -> ()
    %barrier3A_28 = arith.constant 0 : index
    tpu.barrier barrier_id(%barrier3A_28)
    %mul3A_29 = arith.constant 640 : i32
    %mul3A_30 = arith.muli %arg1, %mul3A_29 : i32
    %mul3A_31 = arith.constant 640 : i32
    %mul3A_32 = arith.muli %arg1, %mul3A_31 : i32
    "tpu.region"() ({
      %run_scoped3A_33 = tpu.sem_alloc : memref<!tpu.dma_semaphore, #tpu.memory_space<semaphore_mem>>
      %dma_start3A_34 = arith.constant 0 : i32
      %dma_start3A_35 = tpu.memref_slice %arg7[%arg0, %mul3A_32, %dma_start3A_34] : memref<2x10240x128xf32, #tpu.memory_space<hbm>> -> memref<1x640x128xf32, #tpu.memory_space<hbm>>
      %dma_start3A_36 = tpu.memref_squeeze %dma_start3A_35 : memref<1x640x128xf32, #tpu.memory_space<hbm>> -> memref<640x128xf32, #tpu.memory_space<hbm>>
      %dma_start3A_37 = arith.constant 0 : i32
      %dma_start3A_38 = tpu.memref_slice %arg14[%mul3A_30, %dma_start3A_37] : memref<10240x128xf32, #tpu.memory_space<vmem_shared>> -> memref<640x128xf32, #tpu.memory_space<vmem_shared>>
      tpu.enqueue_dma source(%dma_start3A_38 : memref<640x128xf32, #tpu.memory_space<vmem_shared>>) target(%dma_start3A_36 : memref<640x128xf32, #tpu.memory_space<hbm>>) target_semaphore(%run_scoped3A_33 : memref<!tpu.dma_semaphore, #tpu.memory_space<semaphore_mem>>)
      %dma_wait3A_39 = arith.constant 0 : i32
      %dma_wait3A_40 = tpu.memref_slice %arg7[%arg0, %mul3A_32, %dma_wait3A_39] : memref<2x10240x128xf32, #tpu.memory_space<hbm>> -> memref<1x640x128xf32, #tpu.memory_space<hbm>>
      %dma_wait3A_41 = tpu.memref_squeeze %dma_wait3A_40 : memref<1x640x128xf32, #tpu.memory_space<hbm>> -> memref<640x128xf32, #tpu.memory_space<hbm>>
      %dma_wait3A_42 = arith.constant 0 : i32
      %dma_wait3A_43 = tpu.memref_slice %arg14[%mul3A_30, %dma_wait3A_42] : memref<10240x128xf32, #tpu.memory_space<vmem_shared>> -> memref<640x128xf32, #tpu.memory_space<vmem_shared>>
      tpu.wait_dma2 semaphore(%run_scoped3A_33 : memref<!tpu.dma_semaphore, #tpu.memory_space<semaphore_mem>>) src(%dma_wait3A_43 : memref<640x128xf32, #tpu.memory_space<vmem_shared>>) dst(%dma_wait3A_41 : memref<640x128xf32, #tpu.memory_space<hbm>>)
      tpu.yield
    }) : () -> ()
    return
  }
}

#map = affine_map<(d0, d1) -> (0, 0)>
#map1 = affine_map<(d0, d1) -> (0, 0, 0)>
#map2 = affine_map<(d0, d1) -> (0)>
module attributes {stable_mosaic.version = 14 : i64} {
  func.func @sage_sc_aggregate(%arg0: i32, %arg1: i32, %arg2: memref<32x10080xi32, #tpu.memory_space<hbm>>, %arg3: memref<32x126x80xi32, #tpu.memory_space<hbm>>, %arg4: memref<10240x128xf32, #tpu.memory_space<hbm>>, %arg5: memref<10240x128xf32, #tpu.memory_space<hbm>>, %arg6: memref<10240xf32, #tpu.memory_space<hbm>>, %arg7: memref<2x10240x128xf32, #tpu.memory_space<hbm>>, %arg8: memref<2x10240xf32, #tpu.memory_space<hbm>>, %arg9: memref<10080xi32, #tpu.memory_space<vmem>>, %arg10: memref<126x80xi32, #tpu.memory_space<vmem>>, %arg11: memref<80x128xf32, #tpu.memory_space<vmem>>, %arg12: memref<80x128xf32, #tpu.memory_space<vmem>>, %arg13: memref<80xf32, #tpu.memory_space<vmem>>, %arg14: memref<10240x128xf32, #tpu.memory_space<vmem_shared>>, %arg15: memref<10240xf32, #tpu.memory_space<vmem_shared>>, %arg16: memref<!tpu.dma_semaphore, #tpu.memory_space<semaphore_mem>>, %arg17: memref<!tpu.dma_semaphore, #tpu.memory_space<semaphore_mem>>) attributes {dimension_semantics = [#tpu.dimension_semantics<core_parallel>, #tpu.dimension_semantics<subcore_parallel>], iteration_bounds = array<i64: 2, 16>, scalar_prefetch = 0 : i64, scratch_operands = 9 : i64, tpu.core_type = #tpu.core_type<sc_vector_subcore>, window_params = [{transform_indices = #map}, {transform_indices = #map1}, {transform_indices = #map}, {transform_indices = #map}, {transform_indices = #map2}, {transform_indices = #map1}, {transform_indices = #map}]} {
    %mul3A = arith.constant 16 : i32
    %mul3A_0 = arith.muli %arg0, %mul3A : i32
    %add3A = arith.addi %mul3A_0, %arg1 : i32
    "tpu.region"() ({
      %run_scoped3A_50 = tpu.sem_alloc : memref<!tpu.dma_semaphore, #tpu.memory_space<semaphore_mem>>
      %dma_start3A_51 = arith.constant 0 : i32
      %dma_start3A_52 = tpu.memref_slice %arg2[%add3A, %dma_start3A_51] : memref<32x10080xi32, #tpu.memory_space<hbm>> -> memref<1x10080xi32, #tpu.memory_space<hbm>>
      %dma_start3A_53 = tpu.memref_squeeze %dma_start3A_52 : memref<1x10080xi32, #tpu.memory_space<hbm>> -> memref<10080xi32, #tpu.memory_space<hbm>>
      %dma_start3A_54 = arith.constant 0 : i32
      %dma_start3A_55 = tpu.memref_slice %arg2[%add3A, %dma_start3A_54] : memref<32x10080xi32, #tpu.memory_space<hbm>> -> memref<1x10080xi32, #tpu.memory_space<hbm>>
      %dma_start3A_56 = tpu.memref_squeeze %dma_start3A_55 : memref<1x10080xi32, #tpu.memory_space<hbm>> -> memref<10080xi32, #tpu.memory_space<hbm>>
      tpu.enqueue_dma source(%dma_start3A_56 : memref<10080xi32, #tpu.memory_space<hbm>>) target(%arg9 : memref<10080xi32, #tpu.memory_space<vmem>>) target_semaphore(%run_scoped3A_50 : memref<!tpu.dma_semaphore, #tpu.memory_space<semaphore_mem>>)
      %dma_wait3A_57 = arith.constant 0 : i32
      %dma_wait3A_58 = tpu.memref_slice %arg2[%add3A, %dma_wait3A_57] : memref<32x10080xi32, #tpu.memory_space<hbm>> -> memref<1x10080xi32, #tpu.memory_space<hbm>>
      %dma_wait3A_59 = tpu.memref_squeeze %dma_wait3A_58 : memref<1x10080xi32, #tpu.memory_space<hbm>> -> memref<10080xi32, #tpu.memory_space<hbm>>
      %dma_wait3A_60 = arith.constant 0 : i32
      %dma_wait3A_61 = tpu.memref_slice %arg2[%add3A, %dma_wait3A_60] : memref<32x10080xi32, #tpu.memory_space<hbm>> -> memref<1x10080xi32, #tpu.memory_space<hbm>>
      %dma_wait3A_62 = tpu.memref_squeeze %dma_wait3A_61 : memref<1x10080xi32, #tpu.memory_space<hbm>> -> memref<10080xi32, #tpu.memory_space<hbm>>
      tpu.wait_dma2 semaphore(%run_scoped3A_50 : memref<!tpu.dma_semaphore, #tpu.memory_space<semaphore_mem>>) src(%dma_wait3A_62 : memref<10080xi32, #tpu.memory_space<hbm>>) dst(%arg9 : memref<10080xi32, #tpu.memory_space<vmem>>)
      tpu.yield
    }) : () -> ()
    "tpu.region"() ({
      %run_scoped3A_50 = tpu.sem_alloc : memref<!tpu.dma_semaphore, #tpu.memory_space<semaphore_mem>>
      %dma_start3A_51 = arith.constant 0 : i32
      %dma_start3A_52 = arith.constant 0 : i32
      %dma_start3A_53 = tpu.memref_slice %arg3[%add3A, %dma_start3A_51, %dma_start3A_52] : memref<32x126x80xi32, #tpu.memory_space<hbm>> -> memref<1x126x80xi32, #tpu.memory_space<hbm>>
      %dma_start3A_54 = tpu.memref_squeeze %dma_start3A_53 : memref<1x126x80xi32, #tpu.memory_space<hbm>> -> memref<126x80xi32, #tpu.memory_space<hbm>>
      %dma_start3A_55 = arith.constant 0 : i32
      %dma_start3A_56 = arith.constant 0 : i32
      %dma_start3A_57 = tpu.memref_slice %arg3[%add3A, %dma_start3A_55, %dma_start3A_56] : memref<32x126x80xi32, #tpu.memory_space<hbm>> -> memref<1x126x80xi32, #tpu.memory_space<hbm>>
      %dma_start3A_58 = tpu.memref_squeeze %dma_start3A_57 : memref<1x126x80xi32, #tpu.memory_space<hbm>> -> memref<126x80xi32, #tpu.memory_space<hbm>>
      tpu.enqueue_dma source(%dma_start3A_58 : memref<126x80xi32, #tpu.memory_space<hbm>>) target(%arg10 : memref<126x80xi32, #tpu.memory_space<vmem>>) target_semaphore(%run_scoped3A_50 : memref<!tpu.dma_semaphore, #tpu.memory_space<semaphore_mem>>)
      %dma_wait3A_59 = arith.constant 0 : i32
      %dma_wait3A_60 = arith.constant 0 : i32
      %dma_wait3A_61 = tpu.memref_slice %arg3[%add3A, %dma_wait3A_59, %dma_wait3A_60] : memref<32x126x80xi32, #tpu.memory_space<hbm>> -> memref<1x126x80xi32, #tpu.memory_space<hbm>>
      %dma_wait3A_62 = tpu.memref_squeeze %dma_wait3A_61 : memref<1x126x80xi32, #tpu.memory_space<hbm>> -> memref<126x80xi32, #tpu.memory_space<hbm>>
      %dma_wait3A_63 = arith.constant 0 : i32
      %dma_wait3A_64 = arith.constant 0 : i32
      %dma_wait3A_65 = tpu.memref_slice %arg3[%add3A, %dma_wait3A_63, %dma_wait3A_64] : memref<32x126x80xi32, #tpu.memory_space<hbm>> -> memref<1x126x80xi32, #tpu.memory_space<hbm>>
      %dma_wait3A_66 = tpu.memref_squeeze %dma_wait3A_65 : memref<1x126x80xi32, #tpu.memory_space<hbm>> -> memref<126x80xi32, #tpu.memory_space<hbm>>
      tpu.wait_dma2 semaphore(%run_scoped3A_50 : memref<!tpu.dma_semaphore, #tpu.memory_space<semaphore_mem>>) src(%dma_wait3A_66 : memref<126x80xi32, #tpu.memory_space<hbm>>) dst(%arg10 : memref<126x80xi32, #tpu.memory_space<vmem>>)
      tpu.yield
    }) : () -> ()
    %mul3A_1 = arith.constant 640 : i32
    %mul3A_2 = arith.muli %arg1, %mul3A_1 : i32
    %mul3A_3 = arith.constant 640 : i32
    %mul3A_4 = arith.muli %arg1, %mul3A_3 : i32
    "tpu.region"() ({
      %run_scoped3A_50 = tpu.sem_alloc : memref<!tpu.dma_semaphore, #tpu.memory_space<semaphore_mem>>
      %dma_start3A_51 = arith.constant 0 : i32
      %dma_start3A_52 = tpu.memref_slice %arg14[%mul3A_4, %dma_start3A_51] : memref<10240x128xf32, #tpu.memory_space<vmem_shared>> -> memref<640x128xf32, #tpu.memory_space<vmem_shared>>
      %dma_start3A_53 = arith.constant 0 : i32
      %dma_start3A_54 = tpu.memref_slice %arg5[%mul3A_2, %dma_start3A_53] : memref<10240x128xf32, #tpu.memory_space<hbm>> -> memref<640x128xf32, #tpu.memory_space<hbm>>
      tpu.enqueue_dma source(%dma_start3A_54 : memref<640x128xf32, #tpu.memory_space<hbm>>) target(%dma_start3A_52 : memref<640x128xf32, #tpu.memory_space<vmem_shared>>) target_semaphore(%run_scoped3A_50 : memref<!tpu.dma_semaphore, #tpu.memory_space<semaphore_mem>>)
      %dma_wait3A_55 = arith.constant 0 : i32
      %dma_wait3A_56 = tpu.memref_slice %arg14[%mul3A_4, %dma_wait3A_55] : memref<10240x128xf32, #tpu.memory_space<vmem_shared>> -> memref<640x128xf32, #tpu.memory_space<vmem_shared>>
      %dma_wait3A_57 = arith.constant 0 : i32
      %dma_wait3A_58 = tpu.memref_slice %arg5[%mul3A_2, %dma_wait3A_57] : memref<10240x128xf32, #tpu.memory_space<hbm>> -> memref<640x128xf32, #tpu.memory_space<hbm>>
      tpu.wait_dma2 semaphore(%run_scoped3A_50 : memref<!tpu.dma_semaphore, #tpu.memory_space<semaphore_mem>>) src(%dma_wait3A_58 : memref<640x128xf32, #tpu.memory_space<hbm>>) dst(%dma_wait3A_56 : memref<640x128xf32, #tpu.memory_space<vmem_shared>>)
      tpu.yield
    }) : () -> ()
    %mul3A_5 = arith.constant 640 : i32
    %mul3A_6 = arith.muli %arg1, %mul3A_5 : i32
    %mul3A_7 = arith.constant 640 : i32
    %mul3A_8 = arith.muli %arg1, %mul3A_7 : i32
    "tpu.region"() ({
      %run_scoped3A_50 = tpu.sem_alloc : memref<!tpu.dma_semaphore, #tpu.memory_space<semaphore_mem>>
      %dma_start3A_51 = tpu.memref_slice %arg15[%mul3A_8] : memref<10240xf32, #tpu.memory_space<vmem_shared>> -> memref<640xf32, #tpu.memory_space<vmem_shared>>
      %dma_start3A_52 = tpu.memref_slice %arg6[%mul3A_6] : memref<10240xf32, #tpu.memory_space<hbm>> -> memref<640xf32, #tpu.memory_space<hbm>>
      tpu.enqueue_dma source(%dma_start3A_52 : memref<640xf32, #tpu.memory_space<hbm>>) target(%dma_start3A_51 : memref<640xf32, #tpu.memory_space<vmem_shared>>) target_semaphore(%run_scoped3A_50 : memref<!tpu.dma_semaphore, #tpu.memory_space<semaphore_mem>>)
      %dma_wait3A_53 = tpu.memref_slice %arg15[%mul3A_8] : memref<10240xf32, #tpu.memory_space<vmem_shared>> -> memref<640xf32, #tpu.memory_space<vmem_shared>>
      %dma_wait3A_54 = tpu.memref_slice %arg6[%mul3A_6] : memref<10240xf32, #tpu.memory_space<hbm>> -> memref<640xf32, #tpu.memory_space<hbm>>
      tpu.wait_dma2 semaphore(%run_scoped3A_50 : memref<!tpu.dma_semaphore, #tpu.memory_space<semaphore_mem>>) src(%dma_wait3A_54 : memref<640xf32, #tpu.memory_space<hbm>>) dst(%dma_wait3A_53 : memref<640xf32, #tpu.memory_space<vmem_shared>>)
      tpu.yield
    }) : () -> ()
    %scan3A = arith.constant 0 : i32
    %scan3A_9 = arith.constant 0 : i32
    %scan3A_10 = arith.constant 5 : i32
    %scan3A_11 = arith.addi %scan3A_9, %scan3A_10 : i32
    %scan3A_12 = arith.constant 1 : i32
    %scan3A_13 = scf.for %scan3A_50 = %scan3A_9 to %scan3A_11 step %scan3A_12 iter_args(%scan3A_51 = %scan3A) -> (i32)  : i32 {
      %broadcast_in_dim3A = arith.constant 1.000000e+00 : f32
      %broadcast_in_dim3A_52 = vector.broadcast %broadcast_in_dim3A : f32 to vector<16xf32>
      %mul3A_53 = arith.constant 16 : i32
      %mul3A_54 = arith.muli %scan3A_50, %mul3A_53 : i32
      %swap3A = arith.index_cast %mul3A_54 : i32 to index
      %swap3A_55 = tpu.vector_load %arg13[%swap3A] {strides = array<i32>} : memref<80xf32, #tpu.memory_space<vmem>>, vector<16xf32>,
      %swap3A_56 = vector.shape_cast %swap3A_55 : vector<16xf32> to vector<16xf32>
      %swap3A_57 = vector.shape_cast %broadcast_in_dim3A_52 : vector<16xf32> to vector<16xf32>
      tpu.vector_store %arg13[%swap3A], %swap3A_57 {strides = array<i32>} : memref<80xf32, #tpu.memory_space<vmem>>, vector<16xf32>,
      %scan3A_58 = arith.constant 0 : i32
      scf.yield %scan3A_58 : i32
    }
    %scan3A_14 = arith.constant 5 : i32
    %barrier3A = arith.constant 0 : index
    tpu.barrier barrier_id(%barrier3A)
    %dma_start3A = arith.constant 0 : i32
    %dma_start3A_15 = tpu.memref_slice %arg9[%dma_start3A] : memref<10080xi32, #tpu.memory_space<vmem>> -> memref<80xi32, #tpu.memory_space<vmem>>
    %dma_start3A_16 = arith.constant 0 : i32
    %dma_start3A_17 = arith.constant 0 : i32
    %dma_start3A_18 = tpu.memref_slice %arg4[%dma_start3A_16, %dma_start3A_17] : memref<10240x128xf32, #tpu.memory_space<hbm>> -> memref<10240x128xf32, #tpu.memory_space<hbm>>
    tpu.enqueue_indirect_dma source(%dma_start3A_18 : memref<10240x128xf32, #tpu.memory_space<hbm>>) target(%arg11 : memref<80x128xf32, #tpu.memory_space<vmem>>) offsets(%dma_start3A_15 : memref<80xi32, #tpu.memory_space<vmem>>) semaphore(%arg16 : memref<!tpu.dma_semaphore, #tpu.memory_space<semaphore_mem>>)
    %dma_start3A_19 = arith.constant 80 : i32
    %dma_start3A_20 = tpu.memref_slice %arg9[%dma_start3A_19] : memref<10080xi32, #tpu.memory_space<vmem>> -> memref<80xi32, #tpu.memory_space<vmem>>
    %dma_start3A_21 = arith.constant 0 : i32
    %dma_start3A_22 = arith.constant 0 : i32
    %dma_start3A_23 = tpu.memref_slice %arg4[%dma_start3A_21, %dma_start3A_22] : memref<10240x128xf32, #tpu.memory_space<hbm>> -> memref<10240x128xf32, #tpu.memory_space<hbm>>
    tpu.enqueue_indirect_dma source(%dma_start3A_23 : memref<10240x128xf32, #tpu.memory_space<hbm>>) target(%arg12 : memref<80x128xf32, #tpu.memory_space<vmem>>) offsets(%dma_start3A_20 : memref<80xi32, #tpu.memory_space<vmem>>) semaphore(%arg17 : memref<!tpu.dma_semaphore, #tpu.memory_space<semaphore_mem>>)
    %scan3A_24 = arith.constant 0 : i32
    %scan3A_25 = arith.constant 62 : i32
    %scan3A_26 = arith.addi %scan3A_24, %scan3A_25 : i32
    %scan3A_27 = arith.constant 1 : i32
    scf.for %scan3A_50 = %scan3A_24 to %scan3A_26 step %scan3A_27  : i32 {
      %mul3A_51 = arith.constant 2 : i32
      %mul3A_52 = arith.muli %scan3A_50, %mul3A_51 : i32
      %add3A_53 = arith.constant 0 : i32
      %add3A_54 = arith.addi %add3A_53, %mul3A_52 : i32
      %add3A_55 = arith.constant 0 : i32
      %add3A_56 = arith.addi %add3A_54, %add3A_55 : i32
      %mul3A_57 = arith.constant 80 : i32
      %mul3A_58 = arith.muli %add3A_56, %mul3A_57 : i32
      %dma_wait3A_59 = tpu.memref_slice %arg9[%mul3A_58] : memref<10080xi32, #tpu.memory_space<vmem>> -> memref<80xi32, #tpu.memory_space<vmem>>
      %dma_wait3A_60 = arith.constant 0 : i32
      %dma_wait3A_61 = arith.constant 0 : i32
      %dma_wait3A_62 = tpu.memref_slice %arg4[%dma_wait3A_60, %dma_wait3A_61] : memref<10240x128xf32, #tpu.memory_space<hbm>> -> memref<10240x128xf32, #tpu.memory_space<hbm>>
      tpu.wait_indirect_dma semaphore(%arg16 : memref<!tpu.dma_semaphore, #tpu.memory_space<semaphore_mem>>) src(%dma_wait3A_62 : memref<10240x128xf32, #tpu.memory_space<hbm>>) dst(%arg11 : memref<80x128xf32, #tpu.memory_space<vmem>>)
      "tpu.region"() ({
        %run_scoped3A_87 = tpu.sem_alloc : memref<!tpu.dma_semaphore, #tpu.memory_space<semaphore_mem>>
        %dma_start3A_88 = arith.constant 0 : i32
        %dma_start3A_89 = tpu.memref_slice %arg10[%add3A_56, %dma_start3A_88] : memref<126x80xi32, #tpu.memory_space<vmem>> -> memref<1x80xi32, #tpu.memory_space<vmem>>
        %dma_start3A_90 = tpu.memref_squeeze %dma_start3A_89 : memref<1x80xi32, #tpu.memory_space<vmem>> -> memref<80xi32, #tpu.memory_space<vmem>>
        %dma_start3A_91 = arith.constant 0 : i32
        %dma_start3A_92 = arith.constant 0 : i32
        %dma_start3A_93 = tpu.memref_slice %arg14[%dma_start3A_91, %dma_start3A_92] : memref<10240x128xf32, #tpu.memory_space<vmem_shared>> -> memref<10240x128xf32, #tpu.memory_space<vmem_shared>>
        tpu.enqueue_indirect_dma source(%arg11 : memref<80x128xf32, #tpu.memory_space<vmem>>) target(%dma_start3A_93 : memref<10240x128xf32, #tpu.memory_space<vmem_shared>>) offsets(%dma_start3A_90 : memref<80xi32, #tpu.memory_space<vmem>>) semaphore(%run_scoped3A_87 : memref<!tpu.dma_semaphore, #tpu.memory_space<semaphore_mem>>) {add = true}
        %dma_wait3A_94 = arith.constant 0 : i32
        %dma_wait3A_95 = tpu.memref_slice %arg10[%add3A_56, %dma_wait3A_94] : memref<126x80xi32, #tpu.memory_space<vmem>> -> memref<1x80xi32, #tpu.memory_space<vmem>>
        %dma_wait3A_96 = tpu.memref_squeeze %dma_wait3A_95 : memref<1x80xi32, #tpu.memory_space<vmem>> -> memref<80xi32, #tpu.memory_space<vmem>>
        %dma_wait3A_97 = arith.constant 0 : i32
        %dma_wait3A_98 = arith.constant 0 : i32
        %dma_wait3A_99 = tpu.memref_slice %arg14[%dma_wait3A_97, %dma_wait3A_98] : memref<10240x128xf32, #tpu.memory_space<vmem_shared>> -> memref<10240x128xf32, #tpu.memory_space<vmem_shared>>
        tpu.wait_indirect_dma semaphore(%run_scoped3A_87 : memref<!tpu.dma_semaphore, #tpu.memory_space<semaphore_mem>>) src(%arg11 : memref<80x128xf32, #tpu.memory_space<vmem>>) dst(%dma_wait3A_99 : memref<10240x128xf32, #tpu.memory_space<vmem_shared>>)
        tpu.yield
      }) : () -> ()
      "tpu.region"() ({
        %run_scoped3A_87 = tpu.sem_alloc : memref<!tpu.dma_semaphore, #tpu.memory_space<semaphore_mem>>
        %dma_start3A_88 = arith.constant 0 : i32
        %dma_start3A_89 = tpu.memref_slice %arg10[%add3A_56, %dma_start3A_88] : memref<126x80xi32, #tpu.memory_space<vmem>> -> memref<1x80xi32, #tpu.memory_space<vmem>>
        %dma_start3A_90 = tpu.memref_squeeze %dma_start3A_89 : memref<1x80xi32, #tpu.memory_space<vmem>> -> memref<80xi32, #tpu.memory_space<vmem>>
        %dma_start3A_91 = arith.constant 0 : i32
        %dma_start3A_92 = tpu.memref_slice %arg15[%dma_start3A_91] : memref<10240xf32, #tpu.memory_space<vmem_shared>> -> memref<10240xf32, #tpu.memory_space<vmem_shared>>
        tpu.enqueue_indirect_dma source(%arg13 : memref<80xf32, #tpu.memory_space<vmem>>) target(%dma_start3A_92 : memref<10240xf32, #tpu.memory_space<vmem_shared>>) offsets(%dma_start3A_90 : memref<80xi32, #tpu.memory_space<vmem>>) semaphore(%run_scoped3A_87 : memref<!tpu.dma_semaphore, #tpu.memory_space<semaphore_mem>>) {add = true}
        %dma_wait3A_93 = arith.constant 0 : i32
        %dma_wait3A_94 = tpu.memref_slice %arg10[%add3A_56, %dma_wait3A_93] : memref<126x80xi32, #tpu.memory_space<vmem>> -> memref<1x80xi32, #tpu.memory_space<vmem>>
        %dma_wait3A_95 = tpu.memref_squeeze %dma_wait3A_94 : memref<1x80xi32, #tpu.memory_space<vmem>> -> memref<80xi32, #tpu.memory_space<vmem>>
        %dma_wait3A_96 = arith.constant 0 : i32
        %dma_wait3A_97 = tpu.memref_slice %arg15[%dma_wait3A_96] : memref<10240xf32, #tpu.memory_space<vmem_shared>> -> memref<10240xf32, #tpu.memory_space<vmem_shared>>
        tpu.wait_indirect_dma semaphore(%run_scoped3A_87 : memref<!tpu.dma_semaphore, #tpu.memory_space<semaphore_mem>>) src(%arg13 : memref<80xf32, #tpu.memory_space<vmem>>) dst(%dma_wait3A_97 : memref<10240xf32, #tpu.memory_space<vmem_shared>>)
        tpu.yield
      }) : () -> ()
      %add3A_63 = arith.constant 2 : i32
      %add3A_64 = arith.addi %add3A_56, %add3A_63 : i32
      %mul3A_65 = arith.constant 80 : i32
      %mul3A_66 = arith.muli %add3A_64, %mul3A_65 : i32
      %dma_start3A_67 = tpu.memref_slice %arg9[%mul3A_66] : memref<10080xi32, #tpu.memory_space<vmem>> -> memref<80xi32, #tpu.memory_space<vmem>>
      %dma_start3A_68 = arith.constant 0 : i32
      %dma_start3A_69 = arith.constant 0 : i32
      %dma_start3A_70 = tpu.memref_slice %arg4[%dma_start3A_68, %dma_start3A_69] : memref<10240x128xf32, #tpu.memory_space<hbm>> -> memref<10240x128xf32, #tpu.memory_space<hbm>>
      tpu.enqueue_indirect_dma source(%dma_start3A_70 : memref<10240x128xf32, #tpu.memory_space<hbm>>) target(%arg11 : memref<80x128xf32, #tpu.memory_space<vmem>>) offsets(%dma_start3A_67 : memref<80xi32, #tpu.memory_space<vmem>>) semaphore(%arg16 : memref<!tpu.dma_semaphore, #tpu.memory_space<semaphore_mem>>)
      %add3A_71 = arith.constant 1 : i32
      %add3A_72 = arith.addi %add3A_54, %add3A_71 : i32
      %mul3A_73 = arith.constant 80 : i32
      %mul3A_74 = arith.muli %add3A_72, %mul3A_73 : i32
      %dma_wait3A_75 = tpu.memref_slice %arg9[%mul3A_74] : memref<10080xi32, #tpu.memory_space<vmem>> -> memref<80xi32, #tpu.memory_space<vmem>>
      %dma_wait3A_76 = arith.constant 0 : i32
      %dma_wait3A_77 = arith.constant 0 : i32
      %dma_wait3A_78 = tpu.memref_slice %arg4[%dma_wait3A_76, %dma_wait3A_77] : memref<10240x128xf32, #tpu.memory_space<hbm>> -> memref<10240x128xf32, #tpu.memory_space<hbm>>
      tpu.wait_indirect_dma semaphore(%arg17 : memref<!tpu.dma_semaphore, #tpu.memory_space<semaphore_mem>>) src(%dma_wait3A_78 : memref<10240x128xf32, #tpu.memory_space<hbm>>) dst(%arg12 : memref<80x128xf32, #tpu.memory_space<vmem>>)
      "tpu.region"() ({
        %run_scoped3A_87 = tpu.sem_alloc : memref<!tpu.dma_semaphore, #tpu.memory_space<semaphore_mem>>
        %dma_start3A_88 = arith.constant 0 : i32
        %dma_start3A_89 = tpu.memref_slice %arg10[%add3A_72, %dma_start3A_88] : memref<126x80xi32, #tpu.memory_space<vmem>> -> memref<1x80xi32, #tpu.memory_space<vmem>>
        %dma_start3A_90 = tpu.memref_squeeze %dma_start3A_89 : memref<1x80xi32, #tpu.memory_space<vmem>> -> memref<80xi32, #tpu.memory_space<vmem>>
        %dma_start3A_91 = arith.constant 0 : i32
        %dma_start3A_92 = arith.constant 0 : i32
        %dma_start3A_93 = tpu.memref_slice %arg14[%dma_start3A_91, %dma_start3A_92] : memref<10240x128xf32, #tpu.memory_space<vmem_shared>> -> memref<10240x128xf32, #tpu.memory_space<vmem_shared>>
        tpu.enqueue_indirect_dma source(%arg12 : memref<80x128xf32, #tpu.memory_space<vmem>>) target(%dma_start3A_93 : memref<10240x128xf32, #tpu.memory_space<vmem_shared>>) offsets(%dma_start3A_90 : memref<80xi32, #tpu.memory_space<vmem>>) semaphore(%run_scoped3A_87 : memref<!tpu.dma_semaphore, #tpu.memory_space<semaphore_mem>>) {add = true}
        %dma_wait3A_94 = arith.constant 0 : i32
        %dma_wait3A_95 = tpu.memref_slice %arg10[%add3A_72, %dma_wait3A_94] : memref<126x80xi32, #tpu.memory_space<vmem>> -> memref<1x80xi32, #tpu.memory_space<vmem>>
        %dma_wait3A_96 = tpu.memref_squeeze %dma_wait3A_95 : memref<1x80xi32, #tpu.memory_space<vmem>> -> memref<80xi32, #tpu.memory_space<vmem>>
        %dma_wait3A_97 = arith.constant 0 : i32
        %dma_wait3A_98 = arith.constant 0 : i32
        %dma_wait3A_99 = tpu.memref_slice %arg14[%dma_wait3A_97, %dma_wait3A_98] : memref<10240x128xf32, #tpu.memory_space<vmem_shared>> -> memref<10240x128xf32, #tpu.memory_space<vmem_shared>>
        tpu.wait_indirect_dma semaphore(%run_scoped3A_87 : memref<!tpu.dma_semaphore, #tpu.memory_space<semaphore_mem>>) src(%arg12 : memref<80x128xf32, #tpu.memory_space<vmem>>) dst(%dma_wait3A_99 : memref<10240x128xf32, #tpu.memory_space<vmem_shared>>)
        tpu.yield
      }) : () -> ()
      "tpu.region"() ({
        %run_scoped3A_87 = tpu.sem_alloc : memref<!tpu.dma_semaphore, #tpu.memory_space<semaphore_mem>>
        %dma_start3A_88 = arith.constant 0 : i32
        %dma_start3A_89 = tpu.memref_slice %arg10[%add3A_72, %dma_start3A_88] : memref<126x80xi32, #tpu.memory_space<vmem>> -> memref<1x80xi32, #tpu.memory_space<vmem>>
        %dma_start3A_90 = tpu.memref_squeeze %dma_start3A_89 : memref<1x80xi32, #tpu.memory_space<vmem>> -> memref<80xi32, #tpu.memory_space<vmem>>
        %dma_start3A_91 = arith.constant 0 : i32
        %dma_start3A_92 = tpu.memref_slice %arg15[%dma_start3A_91] : memref<10240xf32, #tpu.memory_space<vmem_shared>> -> memref<10240xf32, #tpu.memory_space<vmem_shared>>
        tpu.enqueue_indirect_dma source(%arg13 : memref<80xf32, #tpu.memory_space<vmem>>) target(%dma_start3A_92 : memref<10240xf32, #tpu.memory_space<vmem_shared>>) offsets(%dma_start3A_90 : memref<80xi32, #tpu.memory_space<vmem>>) semaphore(%run_scoped3A_87 : memref<!tpu.dma_semaphore, #tpu.memory_space<semaphore_mem>>) {add = true}
        %dma_wait3A_93 = arith.constant 0 : i32
        %dma_wait3A_94 = tpu.memref_slice %arg10[%add3A_72, %dma_wait3A_93] : memref<126x80xi32, #tpu.memory_space<vmem>> -> memref<1x80xi32, #tpu.memory_space<vmem>>
        %dma_wait3A_95 = tpu.memref_squeeze %dma_wait3A_94 : memref<1x80xi32, #tpu.memory_space<vmem>> -> memref<80xi32, #tpu.memory_space<vmem>>
        %dma_wait3A_96 = arith.constant 0 : i32
        %dma_wait3A_97 = tpu.memref_slice %arg15[%dma_wait3A_96] : memref<10240xf32, #tpu.memory_space<vmem_shared>> -> memref<10240xf32, #tpu.memory_space<vmem_shared>>
        tpu.wait_indirect_dma semaphore(%run_scoped3A_87 : memref<!tpu.dma_semaphore, #tpu.memory_space<semaphore_mem>>) src(%arg13 : memref<80xf32, #tpu.memory_space<vmem>>) dst(%dma_wait3A_97 : memref<10240xf32, #tpu.memory_space<vmem_shared>>)
        tpu.yield
      }) : () -> ()
      %add3A_79 = arith.constant 2 : i32
      %add3A_80 = arith.addi %add3A_72, %add3A_79 : i32
      %mul3A_81 = arith.constant 80 : i32
      %mul3A_82 = arith.muli %add3A_80, %mul3A_81 : i32
      %dma_start3A_83 = tpu.memref_slice %arg9[%mul3A_82] : memref<10080xi32, #tpu.memory_space<vmem>> -> memref<80xi32, #tpu.memory_space<vmem>>
      %dma_start3A_84 = arith.constant 0 : i32
      %dma_start3A_85 = arith.constant 0 : i32
      %dma_start3A_86 = tpu.memref_slice %arg4[%dma_start3A_84, %dma_start3A_85] : memref<10240x128xf32, #tpu.memory_space<hbm>> -> memref<10240x128xf32, #tpu.memory_space<hbm>>
      tpu.enqueue_indirect_dma source(%dma_start3A_86 : memref<10240x128xf32, #tpu.memory_space<hbm>>) target(%arg12 : memref<80x128xf32, #tpu.memory_space<vmem>>) offsets(%dma_start3A_83 : memref<80xi32, #tpu.memory_space<vmem>>) semaphore(%arg17 : memref<!tpu.dma_semaphore, #tpu.memory_space<semaphore_mem>>)
    }
    %scan3A_28 = arith.constant 62 : i32
    %dma_wait3A = arith.constant 9920 : i32
    %dma_wait3A_29 = tpu.memref_slice %arg9[%dma_wait3A] : memref<10080xi32, #tpu.memory_space<vmem>> -> memref<80xi32, #tpu.memory_space<vmem>>
    %dma_wait3A_30 = arith.constant 0 : i32
    %dma_wait3A_31 = arith.constant 0 : i32
    %dma_wait3A_32 = tpu.memref_slice %arg4[%dma_wait3A_30, %dma_wait3A_31] : memref<10240x128xf32, #tpu.memory_space<hbm>> -> memref<10240x128xf32, #tpu.memory_space<hbm>>
    tpu.wait_indirect_dma semaphore(%arg16 : memref<!tpu.dma_semaphore, #tpu.memory_space<semaphore_mem>>) src(%dma_wait3A_32 : memref<10240x128xf32, #tpu.memory_space<hbm>>) dst(%arg11 : memref<80x128xf32, #tpu.memory_space<vmem>>)
    %run_scoped3A = arith.constant 124 : i32
    "tpu.region"() ({
      %run_scoped3A_50 = tpu.sem_alloc : memref<!tpu.dma_semaphore, #tpu.memory_space<semaphore_mem>>
      %dma_start3A_51 = arith.constant 0 : i32
      %dma_start3A_52 = tpu.memref_slice %arg10[%run_scoped3A, %dma_start3A_51] : memref<126x80xi32, #tpu.memory_space<vmem>> -> memref<1x80xi32, #tpu.memory_space<vmem>>
      %dma_start3A_53 = tpu.memref_squeeze %dma_start3A_52 : memref<1x80xi32, #tpu.memory_space<vmem>> -> memref<80xi32, #tpu.memory_space<vmem>>
      %dma_start3A_54 = arith.constant 0 : i32
      %dma_start3A_55 = arith.constant 0 : i32
      %dma_start3A_56 = tpu.memref_slice %arg14[%dma_start3A_54, %dma_start3A_55] : memref<10240x128xf32, #tpu.memory_space<vmem_shared>> -> memref<10240x128xf32, #tpu.memory_space<vmem_shared>>
      tpu.enqueue_indirect_dma source(%arg11 : memref<80x128xf32, #tpu.memory_space<vmem>>) target(%dma_start3A_56 : memref<10240x128xf32, #tpu.memory_space<vmem_shared>>) offsets(%dma_start3A_53 : memref<80xi32, #tpu.memory_space<vmem>>) semaphore(%run_scoped3A_50 : memref<!tpu.dma_semaphore, #tpu.memory_space<semaphore_mem>>) {add = true}
      %dma_wait3A_57 = arith.constant 0 : i32
      %dma_wait3A_58 = tpu.memref_slice %arg10[%run_scoped3A, %dma_wait3A_57] : memref<126x80xi32, #tpu.memory_space<vmem>> -> memref<1x80xi32, #tpu.memory_space<vmem>>
      %dma_wait3A_59 = tpu.memref_squeeze %dma_wait3A_58 : memref<1x80xi32, #tpu.memory_space<vmem>> -> memref<80xi32, #tpu.memory_space<vmem>>
      %dma_wait3A_60 = arith.constant 0 : i32
      %dma_wait3A_61 = arith.constant 0 : i32
      %dma_wait3A_62 = tpu.memref_slice %arg14[%dma_wait3A_60, %dma_wait3A_61] : memref<10240x128xf32, #tpu.memory_space<vmem_shared>> -> memref<10240x128xf32, #tpu.memory_space<vmem_shared>>
      tpu.wait_indirect_dma semaphore(%run_scoped3A_50 : memref<!tpu.dma_semaphore, #tpu.memory_space<semaphore_mem>>) src(%arg11 : memref<80x128xf32, #tpu.memory_space<vmem>>) dst(%dma_wait3A_62 : memref<10240x128xf32, #tpu.memory_space<vmem_shared>>)
      tpu.yield
    }) : () -> ()
    %run_scoped3A_33 = arith.constant 124 : i32
    "tpu.region"() ({
      %run_scoped3A_50 = tpu.sem_alloc : memref<!tpu.dma_semaphore, #tpu.memory_space<semaphore_mem>>
      %dma_start3A_51 = arith.constant 0 : i32
      %dma_start3A_52 = tpu.memref_slice %arg10[%run_scoped3A_33, %dma_start3A_51] : memref<126x80xi32, #tpu.memory_space<vmem>> -> memref<1x80xi32, #tpu.memory_space<vmem>>
      %dma_start3A_53 = tpu.memref_squeeze %dma_start3A_52 : memref<1x80xi32, #tpu.memory_space<vmem>> -> memref<80xi32, #tpu.memory_space<vmem>>
      %dma_start3A_54 = arith.constant 0 : i32
      %dma_start3A_55 = tpu.memref_slice %arg15[%dma_start3A_54] : memref<10240xf32, #tpu.memory_space<vmem_shared>> -> memref<10240xf32, #tpu.memory_space<vmem_shared>>
      tpu.enqueue_indirect_dma source(%arg13 : memref<80xf32, #tpu.memory_space<vmem>>) target(%dma_start3A_55 : memref<10240xf32, #tpu.memory_space<vmem_shared>>) offsets(%dma_start3A_53 : memref<80xi32, #tpu.memory_space<vmem>>) semaphore(%run_scoped3A_50 : memref<!tpu.dma_semaphore, #tpu.memory_space<semaphore_mem>>) {add = true}
      %dma_wait3A_56 = arith.constant 0 : i32
      %dma_wait3A_57 = tpu.memref_slice %arg10[%run_scoped3A_33, %dma_wait3A_56] : memref<126x80xi32, #tpu.memory_space<vmem>> -> memref<1x80xi32, #tpu.memory_space<vmem>>
      %dma_wait3A_58 = tpu.memref_squeeze %dma_wait3A_57 : memref<1x80xi32, #tpu.memory_space<vmem>> -> memref<80xi32, #tpu.memory_space<vmem>>
      %dma_wait3A_59 = arith.constant 0 : i32
      %dma_wait3A_60 = tpu.memref_slice %arg15[%dma_wait3A_59] : memref<10240xf32, #tpu.memory_space<vmem_shared>> -> memref<10240xf32, #tpu.memory_space<vmem_shared>>
      tpu.wait_indirect_dma semaphore(%run_scoped3A_50 : memref<!tpu.dma_semaphore, #tpu.memory_space<semaphore_mem>>) src(%arg13 : memref<80xf32, #tpu.memory_space<vmem>>) dst(%dma_wait3A_60 : memref<10240xf32, #tpu.memory_space<vmem_shared>>)
      tpu.yield
    }) : () -> ()
    %dma_wait3A_34 = arith.constant 10000 : i32
    %dma_wait3A_35 = tpu.memref_slice %arg9[%dma_wait3A_34] : memref<10080xi32, #tpu.memory_space<vmem>> -> memref<80xi32, #tpu.memory_space<vmem>>
    %dma_wait3A_36 = arith.constant 0 : i32
    %dma_wait3A_37 = arith.constant 0 : i32
    %dma_wait3A_38 = tpu.memref_slice %arg4[%dma_wait3A_36, %dma_wait3A_37] : memref<10240x128xf32, #tpu.memory_space<hbm>> -> memref<10240x128xf32, #tpu.memory_space<hbm>>
    tpu.wait_indirect_dma semaphore(%arg17 : memref<!tpu.dma_semaphore, #tpu.memory_space<semaphore_mem>>) src(%dma_wait3A_38 : memref<10240x128xf32, #tpu.memory_space<hbm>>) dst(%arg12 : memref<80x128xf32, #tpu.memory_space<vmem>>)
    %run_scoped3A_39 = arith.constant 125 : i32
    "tpu.region"() ({
      %run_scoped3A_50 = tpu.sem_alloc : memref<!tpu.dma_semaphore, #tpu.memory_space<semaphore_mem>>
      %dma_start3A_51 = arith.constant 0 : i32
      %dma_start3A_52 = tpu.memref_slice %arg10[%run_scoped3A_39, %dma_start3A_51] : memref<126x80xi32, #tpu.memory_space<vmem>> -> memref<1x80xi32, #tpu.memory_space<vmem>>
      %dma_start3A_53 = tpu.memref_squeeze %dma_start3A_52 : memref<1x80xi32, #tpu.memory_space<vmem>> -> memref<80xi32, #tpu.memory_space<vmem>>
      %dma_start3A_54 = arith.constant 0 : i32
      %dma_start3A_55 = arith.constant 0 : i32
      %dma_start3A_56 = tpu.memref_slice %arg14[%dma_start3A_54, %dma_start3A_55] : memref<10240x128xf32, #tpu.memory_space<vmem_shared>> -> memref<10240x128xf32, #tpu.memory_space<vmem_shared>>
      tpu.enqueue_indirect_dma source(%arg12 : memref<80x128xf32, #tpu.memory_space<vmem>>) target(%dma_start3A_56 : memref<10240x128xf32, #tpu.memory_space<vmem_shared>>) offsets(%dma_start3A_53 : memref<80xi32, #tpu.memory_space<vmem>>) semaphore(%run_scoped3A_50 : memref<!tpu.dma_semaphore, #tpu.memory_space<semaphore_mem>>) {add = true}
      %dma_wait3A_57 = arith.constant 0 : i32
      %dma_wait3A_58 = tpu.memref_slice %arg10[%run_scoped3A_39, %dma_wait3A_57] : memref<126x80xi32, #tpu.memory_space<vmem>> -> memref<1x80xi32, #tpu.memory_space<vmem>>
      %dma_wait3A_59 = tpu.memref_squeeze %dma_wait3A_58 : memref<1x80xi32, #tpu.memory_space<vmem>> -> memref<80xi32, #tpu.memory_space<vmem>>
      %dma_wait3A_60 = arith.constant 0 : i32
      %dma_wait3A_61 = arith.constant 0 : i32
      %dma_wait3A_62 = tpu.memref_slice %arg14[%dma_wait3A_60, %dma_wait3A_61] : memref<10240x128xf32, #tpu.memory_space<vmem_shared>> -> memref<10240x128xf32, #tpu.memory_space<vmem_shared>>
      tpu.wait_indirect_dma semaphore(%run_scoped3A_50 : memref<!tpu.dma_semaphore, #tpu.memory_space<semaphore_mem>>) src(%arg12 : memref<80x128xf32, #tpu.memory_space<vmem>>) dst(%dma_wait3A_62 : memref<10240x128xf32, #tpu.memory_space<vmem_shared>>)
      tpu.yield
    }) : () -> ()
    %run_scoped3A_40 = arith.constant 125 : i32
    "tpu.region"() ({
      %run_scoped3A_50 = tpu.sem_alloc : memref<!tpu.dma_semaphore, #tpu.memory_space<semaphore_mem>>
      %dma_start3A_51 = arith.constant 0 : i32
      %dma_start3A_52 = tpu.memref_slice %arg10[%run_scoped3A_40, %dma_start3A_51] : memref<126x80xi32, #tpu.memory_space<vmem>> -> memref<1x80xi32, #tpu.memory_space<vmem>>
      %dma_start3A_53 = tpu.memref_squeeze %dma_start3A_52 : memref<1x80xi32, #tpu.memory_space<vmem>> -> memref<80xi32, #tpu.memory_space<vmem>>
      %dma_start3A_54 = arith.constant 0 : i32
      %dma_start3A_55 = tpu.memref_slice %arg15[%dma_start3A_54] : memref<10240xf32, #tpu.memory_space<vmem_shared>> -> memref<10240xf32, #tpu.memory_space<vmem_shared>>
      tpu.enqueue_indirect_dma source(%arg13 : memref<80xf32, #tpu.memory_space<vmem>>) target(%dma_start3A_55 : memref<10240xf32, #tpu.memory_space<vmem_shared>>) offsets(%dma_start3A_53 : memref<80xi32, #tpu.memory_space<vmem>>) semaphore(%run_scoped3A_50 : memref<!tpu.dma_semaphore, #tpu.memory_space<semaphore_mem>>) {add = true}
      %dma_wait3A_56 = arith.constant 0 : i32
      %dma_wait3A_57 = tpu.memref_slice %arg10[%run_scoped3A_40, %dma_wait3A_56] : memref<126x80xi32, #tpu.memory_space<vmem>> -> memref<1x80xi32, #tpu.memory_space<vmem>>
      %dma_wait3A_58 = tpu.memref_squeeze %dma_wait3A_57 : memref<1x80xi32, #tpu.memory_space<vmem>> -> memref<80xi32, #tpu.memory_space<vmem>>
      %dma_wait3A_59 = arith.constant 0 : i32
      %dma_wait3A_60 = tpu.memref_slice %arg15[%dma_wait3A_59] : memref<10240xf32, #tpu.memory_space<vmem_shared>> -> memref<10240xf32, #tpu.memory_space<vmem_shared>>
      tpu.wait_indirect_dma semaphore(%run_scoped3A_50 : memref<!tpu.dma_semaphore, #tpu.memory_space<semaphore_mem>>) src(%arg13 : memref<80xf32, #tpu.memory_space<vmem>>) dst(%dma_wait3A_60 : memref<10240xf32, #tpu.memory_space<vmem_shared>>)
      tpu.yield
    }) : () -> ()
    %barrier3A_41 = arith.constant 0 : index
    tpu.barrier barrier_id(%barrier3A_41)
    %mul3A_42 = arith.constant 640 : i32
    %mul3A_43 = arith.muli %arg1, %mul3A_42 : i32
    %mul3A_44 = arith.constant 640 : i32
    %mul3A_45 = arith.muli %arg1, %mul3A_44 : i32
    "tpu.region"() ({
      %run_scoped3A_50 = tpu.sem_alloc : memref<!tpu.dma_semaphore, #tpu.memory_space<semaphore_mem>>
      %dma_start3A_51 = arith.constant 0 : i32
      %dma_start3A_52 = tpu.memref_slice %arg7[%arg0, %mul3A_45, %dma_start3A_51] : memref<2x10240x128xf32, #tpu.memory_space<hbm>> -> memref<1x640x128xf32, #tpu.memory_space<hbm>>
      %dma_start3A_53 = tpu.memref_squeeze %dma_start3A_52 : memref<1x640x128xf32, #tpu.memory_space<hbm>> -> memref<640x128xf32, #tpu.memory_space<hbm>>
      %dma_start3A_54 = arith.constant 0 : i32
      %dma_start3A_55 = tpu.memref_slice %arg14[%mul3A_43, %dma_start3A_54] : memref<10240x128xf32, #tpu.memory_space<vmem_shared>> -> memref<640x128xf32, #tpu.memory_space<vmem_shared>>
      tpu.enqueue_dma source(%dma_start3A_55 : memref<640x128xf32, #tpu.memory_space<vmem_shared>>) target(%dma_start3A_53 : memref<640x128xf32, #tpu.memory_space<hbm>>) target_semaphore(%run_scoped3A_50 : memref<!tpu.dma_semaphore, #tpu.memory_space<semaphore_mem>>)
      %dma_wait3A_56 = arith.constant 0 : i32
      %dma_wait3A_57 = tpu.memref_slice %arg7[%arg0, %mul3A_45, %dma_wait3A_56] : memref<2x10240x128xf32, #tpu.memory_space<hbm>> -> memref<1x640x128xf32, #tpu.memory_space<hbm>>
      %dma_wait3A_58 = tpu.memref_squeeze %dma_wait3A_57 : memref<1x640x128xf32, #tpu.memory_space<hbm>> -> memref<640x128xf32, #tpu.memory_space<hbm>>
      %dma_wait3A_59 = arith.constant 0 : i32
      %dma_wait3A_60 = tpu.memref_slice %arg14[%mul3A_43, %dma_wait3A_59] : memref<10240x128xf32, #tpu.memory_space<vmem_shared>> -> memref<640x128xf32, #tpu.memory_space<vmem_shared>>
      tpu.wait_dma2 semaphore(%run_scoped3A_50 : memref<!tpu.dma_semaphore, #tpu.memory_space<semaphore_mem>>) src(%dma_wait3A_60 : memref<640x128xf32, #tpu.memory_space<vmem_shared>>) dst(%dma_wait3A_58 : memref<640x128xf32, #tpu.memory_space<hbm>>)
      tpu.yield
    }) : () -> ()
    %mul3A_46 = arith.constant 640 : i32
    %mul3A_47 = arith.muli %arg1, %mul3A_46 : i32
    %mul3A_48 = arith.constant 640 : i32
    %mul3A_49 = arith.muli %arg1, %mul3A_48 : i32
    "tpu.region"() ({
      %run_scoped3A_50 = tpu.sem_alloc : memref<!tpu.dma_semaphore, #tpu.memory_space<semaphore_mem>>
      %dma_start3A_51 = tpu.memref_slice %arg8[%arg0, %mul3A_49] : memref<2x10240xf32, #tpu.memory_space<hbm>> -> memref<1x640xf32, #tpu.memory_space<hbm>>
      %dma_start3A_52 = tpu.memref_squeeze %dma_start3A_51 : memref<1x640xf32, #tpu.memory_space<hbm>> -> memref<640xf32, #tpu.memory_space<hbm>>
      %dma_start3A_53 = tpu.memref_slice %arg15[%mul3A_47] : memref<10240xf32, #tpu.memory_space<vmem_shared>> -> memref<640xf32, #tpu.memory_space<vmem_shared>>
      tpu.enqueue_dma source(%dma_start3A_53 : memref<640xf32, #tpu.memory_space<vmem_shared>>) target(%dma_start3A_52 : memref<640xf32, #tpu.memory_space<hbm>>) target_semaphore(%run_scoped3A_50 : memref<!tpu.dma_semaphore, #tpu.memory_space<semaphore_mem>>)
      %dma_wait3A_54 = tpu.memref_slice %arg8[%arg0, %mul3A_49] : memref<2x10240xf32, #tpu.memory_space<hbm>> -> memref<1x640xf32, #tpu.memory_space<hbm>>
      %dma_wait3A_55 = tpu.memref_squeeze %dma_wait3A_54 : memref<1x640xf32, #tpu.memory_space<hbm>> -> memref<640xf32, #tpu.memory_space<hbm>>
      %dma_wait3A_56 = tpu.memref_slice %arg15[%mul3A_47] : memref<10240xf32, #tpu.memory_space<vmem_shared>> -> memref<640xf32, #tpu.memory_space<vmem_shared>>
      tpu.wait_dma2 semaphore(%run_scoped3A_50 : memref<!tpu.dma_semaphore, #tpu.memory_space<semaphore_mem>>) src(%dma_wait3A_56 : memref<640xf32, #tpu.memory_space<vmem_shared>>) dst(%dma_wait3A_55 : memref<640xf32, #tpu.memory_space<hbm>>)
      tpu.yield
    }) : () -> ()
    return
  }
}

module attributes {stable_mosaic.version = 14 : i64} {
  func.func @_tc_pre_body(%arg0: i32, %arg1: memref<1280x128xf32, #tpu.memory_space<vmem>>, %arg2: memref<128x128xf32, #tpu.memory_space<vmem>>, %arg3: memref<128xf32, #tpu.memory_space<vmem>>, %arg4: memref<1280x128xf32, #tpu.memory_space<vmem>>) attributes {dimension_semantics = [#tpu.dimension_semantics<arbitrary>], iteration_bounds = array<i64: 8>, scalar_prefetch = 0 : i64, scratch_operands = 0 : i64, tpu.core_type = #tpu.core_type<tc>, window_params = [{transform_indices = @transform_0, window_bounds = array<i64: 1280, 128>}, {pipeline_mode = #tpu.pipeline_mode<synchronous>, transform_indices = @transform_1, window_bounds = array<i64: 128, 128>}, {pipeline_mode = #tpu.pipeline_mode<synchronous>, transform_indices = @transform_2, window_bounds = array<i64: 128>}, {transform_indices = @transform_3, window_bounds = array<i64: 1280, 128>}]} {
    %get3A = arith.constant 0 : index
    %get3A_0 = arith.constant 0 : index
    %get3A_1 = vector.load %arg1[%get3A, %get3A_0] : memref<1280x128xf32, #tpu.memory_space<vmem>>, vector<1280x128xf32>
    %get3A_2 = arith.constant 0 : index
    %get3A_3 = arith.constant 0 : index
    %get3A_4 = vector.load %arg2[%get3A_2, %get3A_3] : memref<128x128xf32, #tpu.memory_space<vmem>>, vector<128x128xf32>
    %dot_general3A = arith.constant dense<0.000000e+00> : vector<1280x128xf32>
    %dot_general3A_5 = tpu.matmul %get3A_1, %get3A_4, %dot_general3A {dimension_numbers = #tpu.dot_dimension_numbers<[1], [1], [0], [0], [0, 0, 1, 0], [], []>, transpose_lhs_hint = false} : vector<1280x128xf32>, vector<128x128xf32>, vector<1280x128xf32> -> vector<1280x128xf32>
    %get3A_6 = arith.constant 0 : index
    %get3A_7 = vector.load %arg3[%get3A_6] : memref<128xf32, #tpu.memory_space<vmem>>, vector<128xf32>
    %broadcast_in_dim3A = vector.shape_cast %get3A_7 : vector<128xf32> to vector<1x128xf32>
    %add3A = vector.broadcast %broadcast_in_dim3A : vector<1x128xf32> to vector<1280x128xf32>
    %add3A_8 = arith.addf %dot_general3A_5, %add3A : vector<1280x128xf32>
    %swap3A = arith.constant 0 : index
    %swap3A_9 = arith.constant 0 : index
    %swap3A_10 = vector.load %arg4[%swap3A, %swap3A_9] : memref<1280x128xf32, #tpu.memory_space<vmem>>, vector<1280x128xf32>
    tpu.vector_store %arg4[%swap3A, %swap3A_9], %add3A_8 {strides = array<i32>} : memref<1280x128xf32, #tpu.memory_space<vmem>>, vector<1280x128xf32>,
    return
  }
  func.func @transform_0(%arg0: i32) -> (i32, i32) {
    %c0_i32 = arith.constant 0 : i32
    %c0_i32_0 = arith.constant 0 : i32
    return %arg0, %c0_i32 : i32, i32
  }
  func.func @transform_1(%arg0: i32) -> (i32, i32) {
    %c0_i32 = arith.constant 0 : i32
    %c0_i32_0 = arith.constant 0 : i32
    %c0_i32_1 = arith.constant 0 : i32
    return %c0_i32, %c0_i32_0 : i32, i32
  }
  func.func @transform_2(%arg0: i32) -> i32 {
    %c0_i32 = arith.constant 0 : i32
    %c0_i32_0 = arith.constant 0 : i32
    return %c0_i32 : i32
  }
  func.func @transform_3(%arg0: i32) -> (i32, i32) {
    %c0_i32 = arith.constant 0 : i32
    %c0_i32_0 = arith.constant 0 : i32
    return %arg0, %c0_i32 : i32, i32
  }
}

module attributes {stable_mosaic.version = 14 : i64} {
  func.func @_tc_comb1_body(%arg0: i32, %arg1: memref<2x1280x128xf32, #tpu.memory_space<vmem>>, %arg2: memref<2x1280x1xf32, #tpu.memory_space<vmem>>, %arg3: memref<1280x128xf32, #tpu.memory_space<vmem>>, %arg4: memref<128x128xf32, #tpu.memory_space<vmem>>, %arg5: memref<1280x128xf32, #tpu.memory_space<vmem>>) attributes {dimension_semantics = [#tpu.dimension_semantics<arbitrary>], iteration_bounds = array<i64: 8>, scalar_prefetch = 0 : i64, scratch_operands = 0 : i64, tpu.core_type = #tpu.core_type<tc>, window_params = [{transform_indices = @transform_0, window_bounds = array<i64: 2, 1280, 128>}, {transform_indices = @transform_1, window_bounds = array<i64: 2, 1280, 1>}, {transform_indices = @transform_2, window_bounds = array<i64: 1280, 128>}, {pipeline_mode = #tpu.pipeline_mode<synchronous>, transform_indices = @transform_3, window_bounds = array<i64: 128, 128>}, {transform_indices = @transform_4, window_bounds = array<i64: 1280, 128>}]} {
    %get3A = arith.constant 0 : index
    %get3A_0 = arith.constant 0 : index
    %get3A_1 = arith.constant 0 : index
    %get3A_2 = vector.load %arg1[%get3A, %get3A_0, %get3A_1] : memref<2x1280x128xf32, #tpu.memory_space<vmem>>, vector<1x1280x128xf32>
    %get3A_3 = vector.shape_cast %get3A_2 : vector<1x1280x128xf32> to vector<1280x128xf32>
    %get3A_4 = arith.constant 1 : index
    %get3A_5 = arith.constant 0 : index
    %get3A_6 = arith.constant 0 : index
    %get3A_7 = vector.load %arg1[%get3A_4, %get3A_5, %get3A_6] : memref<2x1280x128xf32, #tpu.memory_space<vmem>>, vector<1x1280x128xf32>
    %get3A_8 = vector.shape_cast %get3A_7 : vector<1x1280x128xf32> to vector<1280x128xf32>
    %add3A = arith.addf %get3A_3, %get3A_8 : vector<1280x128xf32>
    %get3A_9 = arith.constant 0 : index
    %get3A_10 = arith.constant 0 : index
    %get3A_11 = arith.constant 0 : index
    %get3A_12 = vector.load %arg2[%get3A_9, %get3A_10, %get3A_11] : memref<2x1280x1xf32, #tpu.memory_space<vmem>>, vector<1x1280x1xf32>
    %get3A_13 = vector.shape_cast %get3A_12 : vector<1x1280x1xf32> to vector<1280x1xf32>
    %get3A_14 = arith.constant 1 : index
    %get3A_15 = arith.constant 0 : index
    %get3A_16 = arith.constant 0 : index
    %get3A_17 = vector.load %arg2[%get3A_14, %get3A_15, %get3A_16] : memref<2x1280x1xf32, #tpu.memory_space<vmem>>, vector<1x1280x1xf32>
    %get3A_18 = vector.shape_cast %get3A_17 : vector<1x1280x1xf32> to vector<1280x1xf32>
    %add3A_19 = arith.addf %get3A_13, %get3A_18 : vector<1280x1xf32>
    %max3A = arith.constant 1.000000e+00 : f32
    %max3A_20 = vector.broadcast %max3A : f32 to vector<1280x1xf32>
    %max3A_21 = arith.maximumf %add3A_19, %max3A_20 : vector<1280x1xf32>
    %div3A = arith.constant 1.000000e+00 : f32
    %div3A_22 = vector.broadcast %div3A : f32 to vector<1280x1xf32>
    %div3A_23 = arith.divf %div3A_22, %max3A_21 : vector<1280x1xf32>
    %mul3A = vector.broadcast %div3A_23 : vector<1280x1xf32> to vector<1280x128xf32>
    %mul3A_24 = arith.mulf %add3A, %mul3A : vector<1280x128xf32>
    %get3A_25 = arith.constant 0 : index
    %get3A_26 = arith.constant 0 : index
    %get3A_27 = vector.load %arg4[%get3A_25, %get3A_26] : memref<128x128xf32, #tpu.memory_space<vmem>>, vector<128x128xf32>
    %dot_general3A = arith.constant dense<0.000000e+00> : vector<1280x128xf32>
    %dot_general3A_28 = tpu.matmul %mul3A_24, %get3A_27, %dot_general3A {dimension_numbers = #tpu.dot_dimension_numbers<[1], [1], [0], [0], [0, 0, 1, 0], [], []>, transpose_lhs_hint = false} : vector<1280x128xf32>, vector<128x128xf32>, vector<1280x128xf32> -> vector<1280x128xf32>
    %get3A_29 = arith.constant 0 : index
    %get3A_30 = arith.constant 0 : index
    %get3A_31 = vector.load %arg3[%get3A_29, %get3A_30] : memref<1280x128xf32, #tpu.memory_space<vmem>>, vector<1280x128xf32>
    %add3A_32 = arith.addf %dot_general3A_28, %get3A_31 : vector<1280x128xf32>
    %max3A_33 = arith.constant 0.000000e+00 : f32
    %max3A_34 = vector.broadcast %max3A_33 : f32 to vector<1280x128xf32>
    %max3A_35 = arith.maximumf %add3A_32, %max3A_34 : vector<1280x128xf32>
    %swap3A = arith.constant 0 : index
    %swap3A_36 = arith.constant 0 : index
    %swap3A_37 = vector.load %arg5[%swap3A, %swap3A_36] : memref<1280x128xf32, #tpu.memory_space<vmem>>, vector<1280x128xf32>
    tpu.vector_store %arg5[%swap3A, %swap3A_36], %max3A_35 {strides = array<i32>} : memref<1280x128xf32, #tpu.memory_space<vmem>>, vector<1280x128xf32>,
    return
  }
  func.func @transform_0(%arg0: i32) -> (i32, i32, i32) {
    %c0_i32 = arith.constant 0 : i32
    %c0_i32_0 = arith.constant 0 : i32
    %c0_i32_1 = arith.constant 0 : i32
    return %c0_i32, %arg0, %c0_i32_0 : i32, i32, i32
  }
  func.func @transform_1(%arg0: i32) -> (i32, i32, i32) {
    %c0_i32 = arith.constant 0 : i32
    %c0_i32_0 = arith.constant 0 : i32
    %c0_i32_1 = arith.constant 0 : i32
    return %c0_i32, %arg0, %c0_i32_0 : i32, i32, i32
  }
  func.func @transform_2(%arg0: i32) -> (i32, i32) {
    %c0_i32 = arith.constant 0 : i32
    %c0_i32_0 = arith.constant 0 : i32
    return %arg0, %c0_i32 : i32, i32
  }
  func.func @transform_3(%arg0: i32) -> (i32, i32) {
    %c0_i32 = arith.constant 0 : i32
    %c0_i32_0 = arith.constant 0 : i32
    %c0_i32_1 = arith.constant 0 : i32
    return %c0_i32, %c0_i32_0 : i32, i32
  }
  func.func @transform_4(%arg0: i32) -> (i32, i32) {
    %c0_i32 = arith.constant 0 : i32
    %c0_i32_0 = arith.constant 0 : i32
    return %arg0, %c0_i32 : i32, i32
  }
}

module attributes {stable_mosaic.version = 14 : i64} {
  func.func @_tc_comb2_body(%arg0: i32, %arg1: memref<2x1280x128xf32, #tpu.memory_space<vmem>>, %arg2: memref<2x1280x1xf32, #tpu.memory_space<vmem>>, %arg3: memref<1280x128xf32, #tpu.memory_space<vmem>>, %arg4: memref<128x128xf32, #tpu.memory_space<vmem>>, %arg5: memref<128x128xf32, #tpu.memory_space<vmem>>, %arg6: memref<128xf32, #tpu.memory_space<vmem>>, %arg7: memref<1280x128xf32, #tpu.memory_space<vmem>>) attributes {dimension_semantics = [#tpu.dimension_semantics<arbitrary>], iteration_bounds = array<i64: 8>, scalar_prefetch = 0 : i64, scratch_operands = 0 : i64, tpu.core_type = #tpu.core_type<tc>, window_params = [{transform_indices = @transform_0, window_bounds = array<i64: 2, 1280, 128>}, {transform_indices = @transform_1, window_bounds = array<i64: 2, 1280, 1>}, {transform_indices = @transform_2, window_bounds = array<i64: 1280, 128>}, {pipeline_mode = #tpu.pipeline_mode<synchronous>, transform_indices = @transform_3, window_bounds = array<i64: 128, 128>}, {pipeline_mode = #tpu.pipeline_mode<synchronous>, transform_indices = @transform_4, window_bounds = array<i64: 128, 128>}, {pipeline_mode = #tpu.pipeline_mode<synchronous>, transform_indices = @transform_5, window_bounds = array<i64: 128>}, {transform_indices = @transform_6, window_bounds = array<i64: 1280, 128>}]} {
    %get3A = arith.constant 0 : index
    %get3A_0 = arith.constant 0 : index
    %get3A_1 = arith.constant 0 : index
    %get3A_2 = vector.load %arg1[%get3A, %get3A_0, %get3A_1] : memref<2x1280x128xf32, #tpu.memory_space<vmem>>, vector<1x1280x128xf32>
    %get3A_3 = vector.shape_cast %get3A_2 : vector<1x1280x128xf32> to vector<1280x128xf32>
    %get3A_4 = arith.constant 1 : index
    %get3A_5 = arith.constant 0 : index
    %get3A_6 = arith.constant 0 : index
    %get3A_7 = vector.load %arg1[%get3A_4, %get3A_5, %get3A_6] : memref<2x1280x128xf32, #tpu.memory_space<vmem>>, vector<1x1280x128xf32>
    %get3A_8 = vector.shape_cast %get3A_7 : vector<1x1280x128xf32> to vector<1280x128xf32>
    %add3A = arith.addf %get3A_3, %get3A_8 : vector<1280x128xf32>
    %get3A_9 = arith.constant 0 : index
    %get3A_10 = arith.constant 0 : index
    %get3A_11 = arith.constant 0 : index
    %get3A_12 = vector.load %arg2[%get3A_9, %get3A_10, %get3A_11] : memref<2x1280x1xf32, #tpu.memory_space<vmem>>, vector<1x1280x1xf32>
    %get3A_13 = vector.shape_cast %get3A_12 : vector<1x1280x1xf32> to vector<1280x1xf32>
    %get3A_14 = arith.constant 1 : index
    %get3A_15 = arith.constant 0 : index
    %get3A_16 = arith.constant 0 : index
    %get3A_17 = vector.load %arg2[%get3A_14, %get3A_15, %get3A_16] : memref<2x1280x1xf32, #tpu.memory_space<vmem>>, vector<1x1280x1xf32>
    %get3A_18 = vector.shape_cast %get3A_17 : vector<1x1280x1xf32> to vector<1280x1xf32>
    %add3A_19 = arith.addf %get3A_13, %get3A_18 : vector<1280x1xf32>
    %max3A = arith.constant 1.000000e+00 : f32
    %max3A_20 = vector.broadcast %max3A : f32 to vector<1280x1xf32>
    %max3A_21 = arith.maximumf %add3A_19, %max3A_20 : vector<1280x1xf32>
    %div3A = arith.constant 1.000000e+00 : f32
    %div3A_22 = vector.broadcast %div3A : f32 to vector<1280x1xf32>
    %div3A_23 = arith.divf %div3A_22, %max3A_21 : vector<1280x1xf32>
    %mul3A = vector.broadcast %div3A_23 : vector<1280x1xf32> to vector<1280x128xf32>
    %mul3A_24 = arith.mulf %add3A, %mul3A : vector<1280x128xf32>
    %get3A_25 = arith.constant 0 : index
    %get3A_26 = arith.constant 0 : index
    %get3A_27 = vector.load %arg4[%get3A_25, %get3A_26] : memref<128x128xf32, #tpu.memory_space<vmem>>, vector<128x128xf32>
    %dot_general3A = arith.constant dense<0.000000e+00> : vector<1280x128xf32>
    %dot_general3A_28 = tpu.matmul %mul3A_24, %get3A_27, %dot_general3A {dimension_numbers = #tpu.dot_dimension_numbers<[1], [1], [0], [0], [0, 0, 1, 0], [], []>, transpose_lhs_hint = false} : vector<1280x128xf32>, vector<128x128xf32>, vector<1280x128xf32> -> vector<1280x128xf32>
    %get3A_29 = arith.constant 0 : index
    %get3A_30 = arith.constant 0 : index
    %get3A_31 = vector.load %arg3[%get3A_29, %get3A_30] : memref<1280x128xf32, #tpu.memory_space<vmem>>, vector<1280x128xf32>
    %add3A_32 = arith.addf %dot_general3A_28, %get3A_31 : vector<1280x128xf32>
    %max3A_33 = arith.constant 0.000000e+00 : f32
    %max3A_34 = vector.broadcast %max3A_33 : f32 to vector<1280x128xf32>
    %max3A_35 = arith.maximumf %add3A_32, %max3A_34 : vector<1280x128xf32>
    %get3A_36 = arith.constant 0 : index
    %get3A_37 = arith.constant 0 : index
    %get3A_38 = vector.load %arg5[%get3A_36, %get3A_37] : memref<128x128xf32, #tpu.memory_space<vmem>>, vector<128x128xf32>
    %dot_general3A_39 = arith.constant dense<0.000000e+00> : vector<1280x128xf32>
    %dot_general3A_40 = tpu.matmul %max3A_35, %get3A_38, %dot_general3A_39 {dimension_numbers = #tpu.dot_dimension_numbers<[1], [1], [0], [0], [0, 0, 1, 0], [], []>, transpose_lhs_hint = false} : vector<1280x128xf32>, vector<128x128xf32>, vector<1280x128xf32> -> vector<1280x128xf32>
    %get3A_41 = arith.constant 0 : index
    %get3A_42 = vector.load %arg6[%get3A_41] : memref<128xf32, #tpu.memory_space<vmem>>, vector<128xf32>
    %broadcast_in_dim3A = vector.shape_cast %get3A_42 : vector<128xf32> to vector<1x128xf32>
    %add3A_43 = vector.broadcast %broadcast_in_dim3A : vector<1x128xf32> to vector<1280x128xf32>
    %add3A_44 = arith.addf %dot_general3A_40, %add3A_43 : vector<1280x128xf32>
    %swap3A = arith.constant 0 : index
    %swap3A_45 = arith.constant 0 : index
    %swap3A_46 = vector.load %arg7[%swap3A, %swap3A_45] : memref<1280x128xf32, #tpu.memory_space<vmem>>, vector<1280x128xf32>
    tpu.vector_store %arg7[%swap3A, %swap3A_45], %add3A_44 {strides = array<i32>} : memref<1280x128xf32, #tpu.memory_space<vmem>>, vector<1280x128xf32>,
    return
  }
  func.func @transform_0(%arg0: i32) -> (i32, i32, i32) {
    %c0_i32 = arith.constant 0 : i32
    %c0_i32_0 = arith.constant 0 : i32
    %c0_i32_1 = arith.constant 0 : i32
    return %c0_i32, %arg0, %c0_i32_0 : i32, i32, i32
  }
  func.func @transform_1(%arg0: i32) -> (i32, i32, i32) {
    %c0_i32 = arith.constant 0 : i32
    %c0_i32_0 = arith.constant 0 : i32
    %c0_i32_1 = arith.constant 0 : i32
    return %c0_i32, %arg0, %c0_i32_0 : i32, i32, i32
  }
  func.func @transform_2(%arg0: i32) -> (i32, i32) {
    %c0_i32 = arith.constant 0 : i32
    %c0_i32_0 = arith.constant 0 : i32
    return %arg0, %c0_i32 : i32, i32
  }
  func.func @transform_3(%arg0: i32) -> (i32, i32) {
    %c0_i32 = arith.constant 0 : i32
    %c0_i32_0 = arith.constant 0 : i32
    %c0_i32_1 = arith.constant 0 : i32
    return %c0_i32, %c0_i32_0 : i32, i32
  }
  func.func @transform_4(%arg0: i32) -> (i32, i32) {
    %c0_i32 = arith.constant 0 : i32
    %c0_i32_0 = arith.constant 0 : i32
    %c0_i32_1 = arith.constant 0 : i32
    return %c0_i32, %c0_i32_0 : i32, i32
  }
  func.func @transform_5(%arg0: i32) -> i32 {
    %c0_i32 = arith.constant 0 : i32
    %c0_i32_0 = arith.constant 0 : i32
    return %c0_i32 : i32
  }
  func.func @transform_6(%arg0: i32) -> (i32, i32) {
    %c0_i32 = arith.constant 0 : i32
    %c0_i32_0 = arith.constant 0 : i32
    return %arg0, %c0_i32 : i32, i32
  }
}

</mosaic_0001>

<sc_bundles>
// kernel: sage_sc_aggregate.4.cloned.1.call-start
scs
__scs_entry_jumppad:
0x0: {  	(pc) =	sbr.rel $0x88, $3  }
0x1: {  	(tag) =	ssettag $0x0;
	lr =	simm.s32 $0x1  }
0x2: {  	[smem:$0x3F97] =	sst lr;
	_ =	strace $0xD0000000  }
0x3: {  	_ = 	snop  }
0x4: {  	_ = 	snop  }
0x5: {  	_ = 	snop  }
0x6: {  	_ = 	snop  }
0x7: {  	_ = 	snop  }
__scs_overlays_trampoline_lowered:
0x8: {  	[smem:$0x3FA6] =	sst s0  }
0x9: {  	[smem:$0x3FA7] =	sst s1  }
0xa: {  	[smem:$0x3FA8] =	sst s2  }
0xb: {  	[smem:$0x3FA9] =	sst s3  }
0xc: {  	[smem:$0x3FAA] =	sst s4  }
0xd: {  	[smem:$0x3FAB] =	sst s5  }
0xe: {  	[smem:$0x3FAC] =	sst s6  }
0xf: {  	[smem:$0x3FAD] =	sst s7  }
0x10: {  	[smem:$0x3FAE] =	sst s8  }
0x11: {  	[smem:$0x3FAF] =	sst s9;
	s0 =	simm.s32 @!p0 $0x0  }
0x12: {  	s1 =	sld [smem:$0x3F95];
	s0 =	simm.s32 @p0 $0x1  }
0x13: {  	[smem:$0x3FB0] =	sst s0;
	s0 =	simm.s32 @!p1 $0x0  }
0x14: {  	s2 =	sld [smem:$0x3F94];
	s0 =	simm.s32 @p1 $0x1  }
0x15: {  	[smem:$0x3FB1] =	sst s0;
	s0 =	simm.s32 @!p2 $0x0  }
0x16: {  	s3 =	sld [smem:$0x3FDB];
	s0 =	simm.s32 @p2 $0x1  }
0x17: {  	s4 =	simm.s32 $0x1BF5;
	[smem:$0x3FB3] =	sst s0  }
0x18: {  	s0 =	sld [smem:$0x3F96];
	_ =	swait.ge [sflag:s4], $0x0  }
0x19: {  	s7 =	sld [smem:$0x3F97]  }
0x1a: {  	s8 =	sadd.s32 $0xFFFFE003, lr  }
0x1b: {  	s9 =	sadd.s32 $0xFFFFFEF7, lr;
	s5 =	simm.s32 $0xFFFFFFFF;
	p2 =	slt.u32 s8, $0xFFFFF086  }
0x1c: {  	p1 =	slt.u32 s9, $0xF7A;
	s5 =	simm.s32 @!p2 $0x0  }
0x1d: {  	s5 =	simm.s32 @p1 $0x1;
	p0 =	seq.s32 s7, s2  }
0x1e: {  	s7 =	smul.u32 @!p0 $0xF7A, s2;
	p2 =	seq.s32 @!p0 s5, $0x0  }
0x1f: {  	s9 =	smul.u32 $0xF7A, s1;
	s8 =	simm.s32 @!p0 $0x1BF5;
	p2 =	por !p2, p0  }
0x20: {  	[sflag:s8] =	ssyncset.s32 @!p0 $0xFFFFF086;
	s6 =	sadd.s32 @!p0 s3, s7;
	s7 =	simm.s32 @!p0 $0x108  }
0x21: {  	s3 =	sadd.s32 s3, s9;
	s6 =	sadd.s32 @!p0 $0x88, s6;
	s7 =	simm.s32 @p2 $0x1082  }
0x22: {  	[simem:s7], [sflag:s8] =	dma.local @!p0 [hbm:s6], $0xF7A  }
0x23: {  	s9 =	sor.u32 $0xD0000000, s2;
	s6 =	simm.s32 $0x108;
	_ =	swait.ge @!p0 [sflag:s8], $0x0  }
0x24: {  	s3 =	sadd.s32 $0x88, s3;
	s6 =	simm.s32 @!p1 $0x1082;
	[sflag:s4] =	ssyncset.s32 $0xFFFFF086  }
0x25: {  	[simem:s6], [sflag:s4] =	dma.local [hbm:s3], $0xF7A  }
0x26: {  	[smem:$0x3F97] =	sst s1;
	(tag) =	ssettag s2;
	_ =	strace s9  }
0x27: {  	s1 =	sld [smem:$0x3FA7]  }
0x28: {  	s2 =	sld [smem:$0x3FA8]  }
0x29: {  	s4 =	sld [smem:$0x3FAA]  }
0x2a: {  	p0 =	seq.s32 s5, $0x0;
	s5 =	sld [smem:$0x3FAB]  }
0x2b: {  	s6 =	sld [smem:$0x3FAC]  }
0x2c: {  	s7 =	sld [smem:$0x3FAD]  }
0x2d: {  	s3 =	simm.s32 $0x108;
	s8 =	sld [smem:$0x3FAE]  }
0x2e: {  	s3 =	simm.s32 @!p0 $0x1082;
	s9 =	sld [smem:$0x3FAF]  }
0x2f: {  	lr =	sadd.s32 s0, s3;
	s0 =	sld [smem:$0x3FA6]  }
0x30: {  	s3 =	sld [smem:$0x3FA9]  }
0x31: {  	[smem:$0x3FB2] =	sst s10  }
0x32: {  	s10 =	sld [smem:$0x3FB0];
	_ =	sdelay $0x3  }
0x33: {  	p0 =	seq.s32 s10, $0x1;
	s10 =	sld [smem:$0x3FB2];
	_ =	sdelay $0x3  }
0x34: {  	[smem:$0x3FB2] =	sst s10  }
0x35: {  	s10 =	sld [smem:$0x3FB1];
	_ =	sdelay $0x3  }
0x36: {  	p1 =	seq.s32 s10, $0x1;
	s10 =	sld [smem:$0x3FB2];
	_ =	sdelay $0x3  }
0x37: {  	[smem:$0x3FB2] =	sst s10  }
0x38: {  	s10 =	sld [smem:$0x3FB3]  }
0x39: {  	_ = 	snop;
	(pc) =	sbr.ind lr, $3  }
0x3a: {  	_ = 	snop  }
0x3b: {  	_ = 	snop  }
0x3c: {  	p2 =	seq.s32 s10, $0x1;
	s10 =	sld [smem:$0x3FB2]  }
0x3d: {  	_ =	shalt  }
0x3e: {  	_ =	shalt  }
0x3f: {  	_ =	shalt  }
0x40: {  	_ =	shalt  }
0x41: {  	_ =	shalt  }
0x42: {  	_ =	shalt  }
0x43: {  	_ =	shalt  }
0x44: {  	_ =	shalt  }
0x45: {  	_ =	shalt  }
0x46: {  	_ =	shalt  }
0x47: {  	_ =	shalt  }
0x48: {  	_ =	shalt  }
0x49: {  	_ =	shalt  }
0x4a: {  	_ =	shalt  }
0x4b: {  	_ =	shalt  }
0x4c: {  	_ =	shalt  }
0x4d: {  	_ =	shalt  }
0x4e: {  	_ =	shalt  }
0x4f: {  	_ =	shalt  }
0x50: {  	_ =	shalt  }
0x51: {  	_ =	shalt  }
0x52: {  	_ =	shalt  }
0x53: {  	_ =	shalt  }
0x54: {  	_ =	shalt  }
0x55: {  	_ =	shalt  }
0x56: {  	_ =	shalt  }
0x57: {  	_ =	shalt  }
0x58: {  	_ =	shalt  }
0x59: {  	_ =	shalt  }
0x5a: {  	_ =	shalt  }
0x5b: {  	_ =	shalt  }
0x5c: {  	_ =	shalt  }
0x5d: {  	_ =	shalt  }
0x5e: {  	_ =	shalt  }
0x5f: {  	_ =	shalt  }
0x60: {  	_ =	shalt  }
0x61: {  	_ =	shalt  }
0x62: {  	_ =	shalt  }
0x63: {  	_ =	shalt  }
0x64: {  	_ =	shalt  }
0x65: {  	_ =	shalt  }
0x66: {  	_ =	shalt  }
0x67: {  	_ =	shalt  }
0x68: {  	_ =	shalt  }
0x69: {  	_ =	shalt  }
0x6a: {  	_ =	shalt  }
0x6b: {  	_ =	shalt  }
0x6c: {  	_ =	shalt  }
0x6d: {  	_ =	shalt  }
0x6e: {  	_ =	shalt  }
0x6f: {  	_ =	shalt  }
0x70: {  	_ =	shalt  }
0x71: {  	_ =	shalt  }
0x72: {  	_ =	shalt  }
0x73: {  	_ =	shalt  }
0x74: {  	_ =	shalt  }
0x75: {  	_ =	shalt  }
0x76: {  	_ =	shalt  }
0x77: {  	_ =	shalt  }
0x78: {  	_ =	shalt  }
0x79: {  	_ =	shalt  }
0x7a: {  	_ =	shalt  }
0x7b: {  	_ =	shalt  }
0x7c: {  	_ =	shalt  }
0x7d: {  	_ =	shalt  }
0x7e: {  	_ =	shalt  }
0x7f: {  	_ =	shalt  }
0x80: {  	_ =	shalt  }
0x81: {  	_ =	shalt  }
0x82: {  	_ =	shalt  }
0x83: {  	_ =	shalt  }
0x84: {  	_ =	shalt  }
0x85: {  	_ =	shalt  }
0x86: {  	_ =	shalt  }
0x87: {  	_ =	shalt  }
.Lfunc_end0:
.L_simem_size_0:
called_computation_lowered:
.L_overlay_start_0:
0x88: {  	s2 =	sld [smem:$0x3FD9]  }
0x89: {  	s3 =	sld [smem:$0x3FFE];
	_ =	sdelay $0x1  }
0x8a: {  	s1 =	srdreg.scid  }
0x8b: {  	s0 =	sand.u32 $0x1, s1  }
0x8c: {  	s17 =	sshll.u32 s0, $0xA;
	s2 =	sadd.s32 s3, s2  }
0x8d: {  	s2 =	sadd.s32 s2, s17  }
0x8e: {  	[smem:$0x3FBE] =	sst s2  }
0x8f: {  	_ = 	snop  }
0x90: {  	s2 =	sld [smem:$0x3FD0];
	(tm) =	ssettm $0x1  }
0x91: {  	s18 =	sld [smem:$0x3FFB];
	_ =	sdelay $0x3  }
0x92: {  	_ =	strace s18  }
0x93: {  	s3 =	sld [smem:$0x3FFC];
	_ =	sdelay $0x3  }
0x94: {  	_ =	strace s3  }
0x95: {  	s3 =	sld [smem:$0x3FFD];
	_ =	sdelay $0x3  }
0x96: {  	_ =	strace s3  }
0x97: {  	_ =	strace $0x8FFFFFFF  }
0x98: {  	s19 =	sld [smem:$0x3FDB];
	_ =	sdelay $0x1  }
0x99: {  	s4 =	simm.s32 $_scs_section_size  }
0x9a: {  	s5 =	simm.s32 $_size__tile_overlayer_lowered;
	s6 =	simm.s32 $_tile_overlayer_lowered  }
0x9b: {  	s22 =	simm.s32 $0x1BFF;
	s21 =	sshll.u32 s6, $0x1;
	s3 =	sadd.s32 s4, s19  }
0x9c: {  	s7 =	simm.s32 $0x0;
	s20 =	sshll.u32 s5, $0x1;
	s5 =	sadd.s32 s21, s3  }
0x9d: {  	[timem:s7], [sflag:s22] =	dma.local [hbm:s5], s20  }
0x9e: {  	_ =	swait.ge [sflag:s22], s20  }
0x9f: {  	s4 =	ssub.s32 $0x0, s20;
	[sflag:s22] =	ssyncset.done $0x0  }
0xa0: {  	[sflag:s22] =	ssyncadd.s32 s4;
	_ =	sdelay $0x1  }
0xa1: {  	s23 =	simm.s32 $0x1B8B  }
0xa2: {  	_ =	swait.ge [sflag:s23], $0x1  }
0xa3: {  	[sflag:s23] =	ssyncset.done $0x0  }
0xa4: {  	s25 =	simm.s32 $0x1B8E;
	s24 =	sld [smem:$0x3FFE];
	[sflag:s23] =	ssyncadd.s32 $0xFFFFFFFF  }
0xa5: {  	s26 =	simm.s32 $execute0_lowered;
	[smem:$0x3FD2] =	sst s25  }
0xa6: {  	s5 =	sshll.u32 s26, $0x1;
	_ =	strace $0x80000046;
	[dreg:$0x1] =	wrdreg $0xFFFFFFFF  }
0xa7: {  	s28 =	simm.s32 $_size_execute0_lowered;
	s3 =	sadd.s32 s3, s5;
	[dreg:$0x0] =	wrdreg $0x0  }
0xa8: {  	s5 =	sshll.u32 s28, $0x1;
	[dreg:$0x2] =	wrdreg s3  }
0xa9: {  	[dreg:$0x3] =	wrdreg s5  }
0xaa: {  	[dreg:$0x4] =	wrdreg $0xC0  }
0xab: {  	_ =	task [dreg:s7], $0x5FFFF  }
0xac: {  	[dreg:$0x1] =	wrdreg $0xFFFFFFFF  }
0xad: {  	[dreg:$0x0] =	wrdreg $0x60  }
0xae: {  	[dreg:$0x2] =	wrdreg s24  }
0xaf: {  	[dreg:$0x3] =	wrdreg s2  }
0xb0: {  	[dreg:$0x4] =	wrdreg $0xB8000  }
0xb1: {  	[dreg:$0x5] =	wrdreg $0x1F8000  }
0xb2: {  	[dreg:$0x6] =	wrdreg $0x9  }
0xb3: {  	_ =	task.clear_ibuf [dreg:s7], $0x7FFFF;
	_ =	strace $0x90000046  }
0xb4: {  	s29 =	simm.s32 $0x9;
	_ =	strace $0x80000048  }
0xb5: {  	_ =	swait.ge [sflag:s29], $0x1  }
0xb6: {  	[sflag:s29] =	ssyncadd.s32 $0xFFFFFFFF  }
0xb7: {  	_ =	strace $0x90000048  }
0xb8: {  	_ =	sfence  }
0xb9: {  	s30 =	sld [smem:$0x0];
	_ =	sdelay $0x2  }
0xba: {  	s31 =	sshll.u32 s1, $0xD;
	s1 =	sshrl.u32 s1, $0x2  }
0xbb: {  	s3 =	sand.u32 $0x4000, s31;
	s1 =	sadd.s32 s1, s30  }
0xbc: {  	s0 =	sor.u32 s3, s0;
	s1 =	sshll.u32 s1, $0x11  }
0xbd: {  	s0 =	sor.u32 s1, s0  }
0xbe: {  	s0 =	sadd.s32 $0x8F2B, s0  }
0xbf: {  	[sflag:s0] =	ssyncadd.remote.s32 $0x1  }
0xc0: {  	_ =	sfence.sel $0xFFFF  }
0xc1: {  	[dreg:$0x0] =	wrdreg $0xFFFFFFFF;
	(pc) =	sbr.abs _section_cstart, $3  }
0xc2: {  	[dreg:$0x1] =	wrdreg $0xFFFFFFFF  }
0xc3: {  	_ =	task.clear_ibuf [dreg:s7], $0x2FFFF;
	_ =	strace $0x9FFFFFFF  }
0xc4: {  	(tm) =	ssettm $0x7FFFFFFF  }
0xc5: {  	_ =	shalt  }
tec
execute0_lowered:
.L_overlay_start_1:
0x0: {  	(tag) =	ssettag $0x1  }
0x1: {  	s6 =	rddreg [dreg:$0x0]  }
0x2: {  	s0 =	srdreg.scid;
	s7 =	rddreg [dreg:$0x1]  }
0x3: {  	s17 =	stileid.u32;
	s2 =	rddreg [dreg:$0x2];
	s20 =	simm.s32 $0x50  }
0x4: {  	s28 =	simm.s32 $0x6600;
	s29 =	simm.s32 $0x20;
	s21 =	smul.u32 $0x14000, s17  }
0x5: {  	s30 =	simm.s32 $0x10;
	s31 =	simm.s32 $0x0;
	s10 =	smul.u32 $0x280, s17  }
0x6: {  	s0 =	sand.u32 $0x1, s0;
	s4 =	sshll.u32 s17, $0x7;
	s14 =	smul.u32 $0x500, s17  }
0x7: {  	s15 =	smul.u32 $0x50000, s17;
	s26 =	sshll.u32 s17, $0x6;
	s1 =	sshll.u32 s0, $0x4  }
0x8: {  	s8 =	sand.u32 $0x380, s4;
	s4 =	simm.s32 $0x0;
	s12 =	smul.u32 $0x140000, s0  }
0x9: {  	s22 =	sshll.u32 s0, $0x7;
	s0 =	ssub.s32 $0x2, s0;
	s1 =	sor.u32 s17, s1  }
0xa: {  	[smem:$0x7FF] =	sst s4;
	s11 =	sshrl.u32 s21, $0x3;
	s13 =	sshrl.u32 s10, $0x3  }
0xb: {  	s23 =	sshrl.u32 s0, $0x1;
	s24 =	sshrl.u32 s15, $0x2;
	s15 =	simm.s32 $0x3  }
0xc: {  	s17 =	sor.u32 $0x1C03, s26;
	s26 =	simm.s32 $0x6580;
	s3 =	sshrl.u32 s1, $0x3  }
0xd: {  	s11 =	sadd.s32 s11, s6;
	s13 =	sadd.s32 s13, s6;
	s0 =	ssub.s32 s0, s23  }
0xe: {  	s1 =	sshll.u32 s1, $0xB;
	s25 =	sadd.s32 s24, s2;
	s23 =	simm.s32 $0x1  }
0xf: {  	s24 =	simm.s32 $0xB780;
	s5 =	smul.u32 $0x13C00, s3;
	s3 =	rddreg [dreg:$0x3]  }
0x10: {  	_ =	strace $0x80000047;
	s7 =	sadd.s32 s7, s1;
	s18 =	sshrl.u32 s25, $0x3  }
0x11: {  	s25 =	simm.s32 $0x2;
	s19 =	sadd.s32 s10, s3;
	s5 =	sor.u32 s8, s5  }
0x12: {  	s8 =	sadd.s32 s21, s12;
	s12 =	sor.u32 s22, s14;
	s19 =	sshrl.u32 s19, $0x3  }
0x13: {  	s21 =	simm.s32 $0x6780;
	s22 =	simm.s32 $0x8F80;
	s5 =	sshrl.u32 s5, $0x3  }
0x14: {  	s8 =	sshrl.u32 s8, $0x3;
	s12 =	sshrl.u32 s12, $0x3;
	s9 =	sadd.s32 s5, s6  }
0x15: {  	s5 =	sadd.s32 $0xCE00, s6;
	s16 =	sadd.s32 s8, s6;
	s12 =	sadd.s32 s12, s6  }
0x16: {  	s8 =	sadd.s32 $0x34E00, s11;
	s6 =	sadd.s32 $0x3000, s9;
	s9 =	sadd.s32 $0x5CE00, s13  }
0x17: {  	v0 =	vimm.f32 $1.000000000e+00;
	s10 =	sadd.s32 $0x5DE00, s16;
	s11 =	sadd.s32 $0x5D400, s12;
	s12 =	smax.u32 s0, $0x1  }
.LBB2_1:
0x18: {  	s0 =	simm.s32 $0x80;
	s1 =	simm.s32 $0x400  }
0x19: {  	[tilespmem:s4], [sflag:$0x3] =	stream.strided.gather [hbm4b:s6+s0], $0x2780, s1, s0, $0x38;
	[tilespmem:$0x1FA80] =	vst v63  }
0x1a: {  	_ =	swait.ge [sflag:s15], $0x2780  }
0x1b: {  	[sflag:s15] =	ssyncset.done $0x0  }
0x1c: {  	s1 =	simm.s32 $0x2780;
	[sflag:s15] =	ssyncadd.s32 $0xFFFFD880  }
0x1d: {  	[tilespmem:s1], [sflag:$0x3] =	stream.linear.gather [hbm4b:s7+s4], $0x3F00, $0x38;
	[tilespmem:$0x1FA80] =	vst v63  }
0x1e: {  	_ =	swait.ge [sflag:s15], $0x3F00  }
0x1f: {  	[sflag:s15] =	ssyncset.done $0x0  }
0x20: {  	[sflag:s15] =	ssyncadd.s32 $0xFFFFC100  }
0x21: {  	[spmem:s18], [sflag:s17] =	dma.local [hbm:s8], $0x2800  }
0x22: {  	_ =	swait.ge [sflag:s15], $0x2800  }
0x23: {  	[sflag:s15] =	ssyncset.done $0x0  }
0x24: {  	[sflag:s15] =	ssyncadd.s32 $0xFFFFD800  }
0x25: {  	[spmem:s19], [sflag:s17] =	dma.local [hbm:s9], $0x50  }
0x26: {  	_ =	swait.ge [sflag:s15], $0x50  }
0x27: {  	[sflag:s15] =	ssyncset.done $0x0  }
0x28: {  	[sflag:s15] =	ssyncadd.s32 $0xFFFFFFB0  }
0x29: {  	[tilespmem:$0xB780] =	vst v0  }
0x2a: {  	[tilespmem:$0xB790] =	vst v0  }
0x2b: {  	[tilespmem:$0xB7A0] =	vst v0  }
0x2c: {  	[tilespmem:$0xB7B0] =	vst v0  }
0x2d: {  	[tilespmem:$0xB7C0] =	vst v0  }
0x2e: {  	[bflag:$0x0] =	sbarrier.arrive $0xFFFF  }
0x2f: {  	[tilespmem:s21], [sflag:$0x1] =	stream.indirect.gather [hbm4b:s5+s20], $0x80, s4, s20, $0xb8;
	[tilespmem:$0x1FA80] =	vst v63  }
0x30: {  	_ = 	snop  }
0x31: {  	[tilespmem:s22], [sflag:$0x2] =	stream.indirect.gather [hbm4b:s5+s20], $0x80, s20, s20, $0xb8;
	[tilespmem:$0x1FA80] =	vst v63  }
0x32: {  	_ =	swait.ge [sflag:s23], $0x2800  }
0x33: {  	[sflag:s23] =	ssyncset.done $0x0  }
0x34: {  	s13 =	simm.s32 $0x2780;
	[sflag:s23] =	ssyncadd.s32 $0xFFFFD800  }
0x35: {  	[spmem:s2] =	stream.indirect.scatter.add.f32 [tilespmem:s21], [sflag:$0x3], $0x80, s13, s20, $0xb8;
	[tilespmem:$0x1FA80] =	vst v63  }
0x36: {  	_ =	swait.ge [sflag:s15], $0x2800  }
0x37: {  	[sflag:s15] =	ssyncset.done $0x0  }
0x38: {  	[sflag:s15] =	ssyncadd.s32 $0xFFFFD800  }
0x39: {  	[spmem:s3] =	stream.indirect.scatter.add.f32 [tilespmem:s24], [sflag:$0x3], $0x1, s13, s20, $0xb8;
	[tilespmem:$0x1FA80] =	vst v63  }
0x3a: {  	_ =	swait.ge [sflag:s15], $0x50  }
0x3b: {  	[sflag:s15] =	ssyncset.done $0x0  }
0x3c: {  	s14 =	simm.s32 $0xA0;
	[sflag:s15] =	ssyncadd.s32 $0xFFFFFFB0  }
0x3d: {  	[tilespmem:s21], [sflag:$0x1] =	stream.indirect.gather [hbm4b:s5+s20], $0x80, s14, s20, $0xb8;
	[tilespmem:$0x1FA80] =	vst v63  }
0x3e: {  	_ =	swait.ge [sflag:s25], $0x2800  }
0x3f: {  	[sflag:s25] =	ssyncset.done $0x0  }
0x40: {  	s16 =	simm.s32 $0x2800;
	[sflag:s25] =	ssyncadd.s32 $0xFFFFD800  }
0x41: {  	[spmem:s2] =	stream.indirect.scatter.add.f32 [tilespmem:s22], [sflag:$0x3], $0x80, s16, s20, $0xb8;
	[tilespmem:$0x1FA80] =	vst v63  }
0x42: {  	_ =	swait.ge [sflag:s15], $0x2800  }
0x43: {  	[sflag:s15] =	ssyncset.done $0x0  }
0x44: {  	[sflag:s15] =	ssyncadd.s32 $0xFFFFD800  }
0x45: {  	[spmem:s3] =	stream.indirect.scatter.add.f32 [tilespmem:s24], [sflag:$0x3], $0x1, s16, s20, $0xb8;
	[tilespmem:$0x1FA80] =	vst v63  }
0x46: {  	_ =	swait.ge [sflag:s15], $0x50  }
0x47: {  	s0 =	simm.s32 $0x400;
	[sflag:s15] =	ssyncset.done $0x0  }
0x48: {  	s1 =	simm.s32 $0xF0;
	s13 =	simm.s32 $0x190;
	[sflag:s15] =	ssyncadd.s32 $0xFFFFFFB0  }
.LBB2_2:
0x49: {  	[tilespmem:s22], [sflag:$0x2] =	stream.indirect.gather [hbm4b:s5+s20], $0x80, s1, s20, $0xb8;
	[tilespmem:$0x1FA80] =	vst v63  }
0x4a: {  	s14 =	smov.u32 s0;
	s1 =	smov.u32 s13  }
0x4b: {  	p0 =	sne.s32 s0, $0xF400;
	s0 =	sadd.s32 $0x400, s0;
	_ =	swait.ge [sflag:s23], $0x2800  }
0x4c: {  	s14 =	sshra.s32 s14, $0x2;
	[sflag:s23] =	ssyncset.done $0x0  }
0x4d: {  	s16 =	sadd.s32 $0x2780, s14;
	[sflag:s23] =	ssyncadd.s32 $0xFFFFD800  }
0x4e: {  	[spmem:s2] =	stream.indirect.scatter.add.f32 [tilespmem:s21], [sflag:$0x3], $0x80, s16, s20, $0xb8;
	[tilespmem:$0x1FA80] =	vst v63  }
0x4f: {  	_ =	swait.ge [sflag:s15], $0x2800  }
0x50: {  	[sflag:s15] =	ssyncset.done $0x0  }
0x51: {  	[sflag:s15] =	ssyncadd.s32 $0xFFFFD800  }
0x52: {  	[spmem:s3] =	stream.indirect.scatter.add.f32 [tilespmem:s24], [sflag:$0x3], $0x1, s16, s20, $0xb8;
	[tilespmem:$0x1FA80] =	vst v63  }
0x53: {  	_ =	swait.ge [sflag:s15], $0x50  }
0x54: {  	[sflag:s15] =	ssyncset.done $0x0  }
0x55: {  	s16 =	sadd.s32 $0xFFFFFFB0, s13;
	[sflag:s15] =	ssyncadd.s32 $0xFFFFFFB0  }
0x56: {  	[tilespmem:s21], [sflag:$0x1] =	stream.indirect.gather [hbm4b:s5+s20], $0x80, s16, s20, $0xb8;
	[tilespmem:$0x1FA80] =	vst v63  }
0x57: {  	_ =	swait.ge [sflag:s25], $0x2800  }
0x58: {  	[sflag:s25] =	ssyncset.done $0x0  }
0x59: {  	s14 =	sadd.s32 $0x2800, s14;
	[sflag:s25] =	ssyncadd.s32 $0xFFFFD800  }
0x5a: {  	[spmem:s2] =	stream.indirect.scatter.add.f32 [tilespmem:s22], [sflag:$0x3], $0x80, s14, s20, $0xb8;
	[tilespmem:$0x1FA80] =	vst v63  }
0x5b: {  	_ =	swait.ge [sflag:s15], $0x2800  }
0x5c: {  	[sflag:s15] =	ssyncset.done $0x0  }
.Ltmp0:
0x5d: {  	[sflag:s15] =	ssyncadd.s32 $0xFFFFD800;
	(pc) =	sbr.rel @p0 .LBB2_2-.Ltmp0, $4  }
0x5e: {  	[spmem:s3] =	stream.indirect.scatter.add.f32 [tilespmem:s24], [sflag:$0x3], $0x1, s14, s20, $0xb8;
	[tilespmem:$0x1FA80] =	vst v63  }
0x5f: {  	_ =	swait.ge [sflag:s15], $0x50  }
0x60: {  	[sflag:s15] =	ssyncset.done $0x0  }
0x61: {  	s13 =	sadd.s32 $0xA0, s13;
	[sflag:s15] =	ssyncadd.s32 $0xFFFFFFB0  }
0x62: {  	[tilespmem:s22], [sflag:$0x2] =	stream.indirect.gather [hbm4b:s5+s20], $0x80, s1, s20, $0xb8;
	[tilespmem:$0x1FA80] =	vst v63  }
0x63: {  	_ =	swait.ge [sflag:s23], $0x2800  }
0x64: {  	[sflag:s23] =	ssyncset.done $0x0  }
0x65: {  	[sflag:s23] =	ssyncadd.s32 $0xFFFFD800  }
0x66: {  	[spmem:s2] =	stream.indirect.scatter.add.f32 [tilespmem:s21], [sflag:$0x3], $0x80, s26, s20, $0xb8;
	[tilespmem:$0x1FA80] =	vst v63  }
0x67: {  	_ =	swait.ge [sflag:s15], $0x2800  }
0x68: {  	[sflag:s15] =	ssyncset.done $0x0  }
0x69: {  	[sflag:s15] =	ssyncadd.s32 $0xFFFFD800  }
0x6a: {  	[spmem:s3] =	stream.indirect.scatter.add.f32 [tilespmem:s24], [sflag:$0x3], $0x1, s26, s20, $0xb8;
	[tilespmem:$0x1FA80] =	vst v63  }
0x6b: {  	_ =	swait.ge [sflag:s15], $0x50  }
0x6c: {  	[sflag:s15] =	ssyncset.done $0x0  }
0x6d: {  	[sflag:s15] =	ssyncadd.s32 $0xFFFFFFB0  }
0x6e: {  	_ =	swait.ge [sflag:s25], $0x2800  }
0x6f: {  	[sflag:s25] =	ssyncset.done $0x0  }
0x70: {  	[sflag:s25] =	ssyncadd.s32 $0xFFFFD800  }
0x71: {  	[spmem:s2] =	stream.indirect.scatter.add.f32 [tilespmem:s22], [sflag:$0x3], $0x80, s28, s20, $0xb8;
	[tilespmem:$0x1FA80] =	vst v63  }
0x72: {  	_ =	swait.ge [sflag:s15], $0x2800  }
0x73: {  	[sflag:s15] =	ssyncset.done $0x0  }
0x74: {  	[sflag:s15] =	ssyncadd.s32 $0xFFFFD800  }
0x75: {  	[spmem:s3] =	stream.indirect.scatter.add.f32 [tilespmem:s24], [sflag:$0x3], $0x1, s28, s20, $0xb8;
	[tilespmem:$0x1FA80] =	vst v63  }
0x76: {  	_ =	swait.ge [sflag:s15], $0x50  }
0x77: {  	[sflag:s15] =	ssyncset.done $0x0  }
0x78: {  	[sflag:s15] =	ssyncadd.s32 $0xFFFFFFB0  }
0x79: {  	[bflag:$0x0] =	sbarrier.arrive $0xFFFF  }
0x7a: {  	[hbm:s10], [sflag:s17] =	dma.local [spmem:s18], $0x2800  }
0x7b: {  	s31 =	sadd.s32 $0x1, s31;
	_ =	swait.ge [sflag:s15], $0x2800  }
0x7c: {  	p0 =	sne.s32 s31, s12;
	[sflag:s15] =	ssyncset.done $0x0  }
.Ltmp1:
0x7d: {  	[sflag:s15] =	ssyncadd.s32 $0xFFFFD800;
	(pc) =	sbr.rel @p0 .LBB2_1-.Ltmp1, $4  }
0x7e: {  	[hbm:s11@s29], [sflag:s17] =	dma.strided [spmem:s19@s30], $0x50, s23, $0x10   }
0x7f: {  	_ =	swait.ge [sflag:s15], $0x50  }
0x80: {  	[sflag:s15] =	ssyncset.done $0x0  }
0x81: {  	[sflag:s15] =	ssyncadd.s32 $0xFFFFFFB0  }
0x82: {  	_ =	sfence.sel $0x180000  }
0x83: {  	[bflag:$0x0] =	sbarrier.arrive $0xFFFF  }
0x84: {  	_ =	strace $0x90000047  }
0x85: {  	s0 =	stileid.u32;
	[bflag:$0x2] =	sbarrier.arrive $0xFFFF  }
0x86: {  	p0 =	sne.s32 s0, $0x0;
	s0 =	rddreg [dreg:$0x4]  }
0x87: {  	s0 =	sadd.s32 @!p0 $0x100000, s0  }
0x88: {  	[sflag:s0] =	ssyncadd.tile.s32 @!p0 $0x1;
	_ =	shalt  }
.Lfunc_end2:
_tile_overlayer_lowered:
.L_overlay_start_2:
0x89: {  	(tag) =	ssettag $0x2  }
0x8a: {  	s0 =	rddreg [dreg:$0x0];
	s2 =	stileid.u32  }
0x8b: {  	s1 =	rddreg [dreg:$0x1];
	p0 =	sne.s32 s2, $0x0  }
0x8c: {  	s3 =	rddreg [dreg:$0x2];
	[bflag:$0x3] =	sbarrier.arrive $0xFFFF;
	s2 =	simm.s32 @!p0 $0x1C03  }
0x8d: {  	[timem:s3], [sflag:s2] =	dma.local @!p0 [hbm:s0], s1  }
0x8e: {  	s0 =	simm.s32 @!p0 $0x3  }
0x8f: {  	_ =	swait.ge @!p0 [sflag:s0], s1  }
0x90: {  	s1 =	ssub.s32 @!p0 $0x0, s1;
	[sflag:s0] =	ssyncset.done @!p0 $0x0  }
0x91: {  	[sflag:s0] =	ssyncadd.s32 @!p0 s1  }
0x92: {  	[bflag:$0x3] =	sbarrier.arrive $0xFFFF  }
0x93: {  	_ =	shalt  }

// kernel: sage_sc_aggregate.7.cloned.1.call-start
scs
__scs_entry_jumppad:
0x0: {  	(pc) =	sbr.rel $0x88, $3  }
0x1: {  	(tag) =	ssettag $0x0;
	lr =	simm.s32 $0x1  }
0x2: {  	[smem:$0x3F97] =	sst lr;
	_ =	strace $0xD0000000  }
0x3: {  	_ = 	snop  }
0x4: {  	_ = 	snop  }
0x5: {  	_ = 	snop  }
0x6: {  	_ = 	snop  }
0x7: {  	_ = 	snop  }
__scs_overlays_trampoline_lowered:
0x8: {  	[smem:$0x3FA6] =	sst s0  }
0x9: {  	[smem:$0x3FA7] =	sst s1  }
0xa: {  	[smem:$0x3FA8] =	sst s2  }
0xb: {  	[smem:$0x3FA9] =	sst s3  }
0xc: {  	[smem:$0x3FAA] =	sst s4  }
0xd: {  	[smem:$0x3FAB] =	sst s5  }
0xe: {  	[smem:$0x3FAC] =	sst s6  }
0xf: {  	[smem:$0x3FAD] =	sst s7  }
0x10: {  	[smem:$0x3FAE] =	sst s8  }
0x11: {  	[smem:$0x3FAF] =	sst s9;
	s0 =	simm.s32 @!p0 $0x0  }
0x12: {  	s1 =	sld [smem:$0x3F95];
	s0 =	simm.s32 @p0 $0x1  }
0x13: {  	[smem:$0x3FB0] =	sst s0;
	s0 =	simm.s32 @!p1 $0x0  }
0x14: {  	s2 =	sld [smem:$0x3F94];
	s0 =	simm.s32 @p1 $0x1  }
0x15: {  	[smem:$0x3FB1] =	sst s0;
	s0 =	simm.s32 @!p2 $0x0  }
0x16: {  	s3 =	sld [smem:$0x3FDB];
	s0 =	simm.s32 @p2 $0x1  }
0x17: {  	s4 =	simm.s32 $0x1BF5;
	[smem:$0x3FB3] =	sst s0  }
0x18: {  	s0 =	sld [smem:$0x3F96];
	_ =	swait.ge [sflag:s4], $0x0  }
0x19: {  	s7 =	sld [smem:$0x3F97]  }
0x1a: {  	s8 =	sadd.s32 $0xFFFFE003, lr  }
0x1b: {  	s9 =	sadd.s32 $0xFFFFFEF7, lr;
	s5 =	simm.s32 $0xFFFFFFFF;
	p2 =	slt.u32 s8, $0xFFFFF086  }
0x1c: {  	p1 =	slt.u32 s9, $0xF7A;
	s5 =	simm.s32 @!p2 $0x0  }
0x1d: {  	s5 =	simm.s32 @p1 $0x1;
	p0 =	seq.s32 s7, s2  }
0x1e: {  	s7 =	smul.u32 @!p0 $0xF7A, s2;
	p2 =	seq.s32 @!p0 s5, $0x0  }
0x1f: {  	s9 =	smul.u32 $0xF7A, s1;
	s8 =	simm.s32 @!p0 $0x1BF5;
	p2 =	por !p2, p0  }
0x20: {  	[sflag:s8] =	ssyncset.s32 @!p0 $0xFFFFF086;
	s6 =	sadd.s32 @!p0 s3, s7;
	s7 =	simm.s32 @!p0 $0x108  }
0x21: {  	s3 =	sadd.s32 s3, s9;
	s6 =	sadd.s32 @!p0 $0x88, s6;
	s7 =	simm.s32 @p2 $0x1082  }
0x22: {  	[simem:s7], [sflag:s8] =	dma.local @!p0 [hbm:s6], $0xF7A  }
0x23: {  	s9 =	sor.u32 $0xD0000000, s2;
	s6 =	simm.s32 $0x108;
	_ =	swait.ge @!p0 [sflag:s8], $0x0  }
0x24: {  	s3 =	sadd.s32 $0x88, s3;
	s6 =	simm.s32 @!p1 $0x1082;
	[sflag:s4] =	ssyncset.s32 $0xFFFFF086  }
0x25: {  	[simem:s6], [sflag:s4] =	dma.local [hbm:s3], $0xF7A  }
0x26: {  	[smem:$0x3F97] =	sst s1;
	(tag) =	ssettag s2;
	_ =	strace s9  }
0x27: {  	s1 =	sld [smem:$0x3FA7]  }
0x28: {  	s2 =	sld [smem:$0x3FA8]  }
0x29: {  	s4 =	sld [smem:$0x3FAA]  }
0x2a: {  	p0 =	seq.s32 s5, $0x0;
	s5 =	sld [smem:$0x3FAB]  }
0x2b: {  	s6 =	sld [smem:$0x3FAC]  }
0x2c: {  	s7 =	sld [smem:$0x3FAD]  }
0x2d: {  	s3 =	simm.s32 $0x108;
	s8 =	sld [smem:$0x3FAE]  }
0x2e: {  	s3 =	simm.s32 @!p0 $0x1082;
	s9 =	sld [smem:$0x3FAF]  }
0x2f: {  	lr =	sadd.s32 s0, s3;
	s0 =	sld [smem:$0x3FA6]  }
0x30: {  	s3 =	sld [smem:$0x3FA9]  }
0x31: {  	[smem:$0x3FB2] =	sst s10  }
0x32: {  	s10 =	sld [smem:$0x3FB0];
	_ =	sdelay $0x3  }
0x33: {  	p0 =	seq.s32 s10, $0x1;
	s10 =	sld [smem:$0x3FB2];
	_ =	sdelay $0x3  }
0x34: {  	[smem:$0x3FB2] =	sst s10  }
0x35: {  	s10 =	sld [smem:$0x3FB1];
	_ =	sdelay $0x3  }
0x36: {  	p1 =	seq.s32 s10, $0x1;
	s10 =	sld [smem:$0x3FB2];
	_ =	sdelay $0x3  }
0x37: {  	[smem:$0x3FB2] =	sst s10  }
0x38: {  	s10 =	sld [smem:$0x3FB3]  }
0x39: {  	_ = 	snop;
	(pc) =	sbr.ind lr, $3  }
0x3a: {  	_ = 	snop  }
0x3b: {  	_ = 	snop  }
0x3c: {  	p2 =	seq.s32 s10, $0x1;
	s10 =	sld [smem:$0x3FB2]  }
0x3d: {  	_ =	shalt  }
0x3e: {  	_ =	shalt  }
0x3f: {  	_ =	shalt  }
0x40: {  	_ =	shalt  }
0x41: {  	_ =	shalt  }
0x42: {  	_ =	shalt  }
0x43: {  	_ =	shalt  }
0x44: {  	_ =	shalt  }
0x45: {  	_ =	shalt  }
0x46: {  	_ =	shalt  }
0x47: {  	_ =	shalt  }
0x48: {  	_ =	shalt  }
0x49: {  	_ =	shalt  }
0x4a: {  	_ =	shalt  }
0x4b: {  	_ =	shalt  }
0x4c: {  	_ =	shalt  }
0x4d: {  	_ =	shalt  }
0x4e: {  	_ =	shalt  }
0x4f: {  	_ =	shalt  }
0x50: {  	_ =	shalt  }
0x51: {  	_ =	shalt  }
0x52: {  	_ =	shalt  }
0x53: {  	_ =	shalt  }
0x54: {  	_ =	shalt  }
0x55: {  	_ =	shalt  }
0x56: {  	_ =	shalt  }
0x57: {  	_ =	shalt  }
0x58: {  	_ =	shalt  }
0x59: {  	_ =	shalt  }
0x5a: {  	_ =	shalt  }
0x5b: {  	_ =	shalt  }
0x5c: {  	_ =	shalt  }
0x5d: {  	_ =	shalt  }
0x5e: {  	_ =	shalt  }
0x5f: {  	_ =	shalt  }
0x60: {  	_ =	shalt  }
0x61: {  	_ =	shalt  }
0x62: {  	_ =	shalt  }
0x63: {  	_ =	shalt  }
0x64: {  	_ =	shalt  }
0x65: {  	_ =	shalt  }
0x66: {  	_ =	shalt  }
0x67: {  	_ =	shalt  }
0x68: {  	_ =	shalt  }
0x69: {  	_ =	shalt  }
0x6a: {  	_ =	shalt  }
0x6b: {  	_ =	shalt  }
0x6c: {  	_ =	shalt  }
0x6d: {  	_ =	shalt  }
0x6e: {  	_ =	shalt  }
0x6f: {  	_ =	shalt  }
0x70: {  	_ =	shalt  }
0x71: {  	_ =	shalt  }
0x72: {  	_ =	shalt  }
0x73: {  	_ =	shalt  }
0x74: {  	_ =	shalt  }
0x75: {  	_ =	shalt  }
0x76: {  	_ =	shalt  }
0x77: {  	_ =	shalt  }
0x78: {  	_ =	shalt  }
0x79: {  	_ =	shalt  }
0x7a: {  	_ =	shalt  }
0x7b: {  	_ =	shalt  }
0x7c: {  	_ =	shalt  }
0x7d: {  	_ =	shalt  }
0x7e: {  	_ =	shalt  }
0x7f: {  	_ =	shalt  }
0x80: {  	_ =	shalt  }
0x81: {  	_ =	shalt  }
0x82: {  	_ =	shalt  }
0x83: {  	_ =	shalt  }
0x84: {  	_ =	shalt  }
0x85: {  	_ =	shalt  }
0x86: {  	_ =	shalt  }
0x87: {  	_ =	shalt  }
.Lfunc_end0:
.L_simem_size_0:
called_computation.1_lowered:
.L_overlay_start_0:
0x88: {  	s2 =	sld [smem:$0x3FD9]  }
0x89: {  	s3 =	sld [smem:$0x3FFE];
	_ =	sdelay $0x1  }
0x8a: {  	s1 =	srdreg.scid  }
0x8b: {  	s0 =	sand.u32 $0x1, s1  }
0x8c: {  	s17 =	sshll.u32 s0, $0xA;
	s2 =	sadd.s32 s3, s2  }
0x8d: {  	s2 =	sadd.s32 s2, s17  }
0x8e: {  	[smem:$0x3FBE] =	sst s2  }
0x8f: {  	_ = 	snop  }
0x90: {  	s2 =	sld [smem:$0x3FD0];
	(tm) =	ssettm $0x1  }
0x91: {  	s18 =	sld [smem:$0x3FFB];
	_ =	sdelay $0x3  }
0x92: {  	_ =	strace s18  }
0x93: {  	s3 =	sld [smem:$0x3FFC];
	_ =	sdelay $0x3  }
0x94: {  	_ =	strace s3  }
0x95: {  	s3 =	sld [smem:$0x3FFD];
	_ =	sdelay $0x3  }
0x96: {  	_ =	strace s3  }
0x97: {  	_ =	strace $0x8FFFFFFF  }
0x98: {  	s19 =	sld [smem:$0x3FDB];
	_ =	sdelay $0x1  }
0x99: {  	s4 =	simm.s32 $_scs_section_size  }
0x9a: {  	s5 =	simm.s32 $_size__tile_overlayer_lowered;
	s6 =	simm.s32 $_tile_overlayer_lowered  }
0x9b: {  	s22 =	simm.s32 $0x1BFF;
	s21 =	sshll.u32 s6, $0x1;
	s3 =	sadd.s32 s4, s19  }
0x9c: {  	s7 =	simm.s32 $0x0;
	s20 =	sshll.u32 s5, $0x1;
	s5 =	sadd.s32 s21, s3  }
0x9d: {  	[timem:s7], [sflag:s22] =	dma.local [hbm:s5], s20  }
0x9e: {  	_ =	swait.ge [sflag:s22], s20  }
0x9f: {  	s4 =	ssub.s32 $0x0, s20;
	[sflag:s22] =	ssyncset.done $0x0  }
0xa0: {  	[sflag:s22] =	ssyncadd.s32 s4;
	_ =	sdelay $0x1  }
0xa1: {  	s23 =	simm.s32 $0x1B8B  }
0xa2: {  	_ =	swait.ge [sflag:s23], $0x1  }
0xa3: {  	[sflag:s23] =	ssyncset.done $0x0  }
0xa4: {  	s25 =	simm.s32 $0x1B8E;
	s24 =	sld [smem:$0x3FFE];
	[sflag:s23] =	ssyncadd.s32 $0xFFFFFFFF  }
0xa5: {  	s26 =	simm.s32 $execute0_lowered;
	[smem:$0x3FD2] =	sst s25  }
0xa6: {  	s5 =	sshll.u32 s26, $0x1;
	_ =	strace $0x80000049;
	[dreg:$0x1] =	wrdreg $0xFFFFFFFF  }
0xa7: {  	s28 =	simm.s32 $_size_execute0_lowered;
	s3 =	sadd.s32 s3, s5;
	[dreg:$0x0] =	wrdreg $0x0  }
0xa8: {  	s5 =	sshll.u32 s28, $0x1;
	[dreg:$0x2] =	wrdreg s3  }
0xa9: {  	[dreg:$0x3] =	wrdreg s5  }
0xaa: {  	[dreg:$0x4] =	wrdreg $0xC0  }
0xab: {  	_ =	task [dreg:s7], $0x5FFFF  }
0xac: {  	[dreg:$0x1] =	wrdreg $0xFFFFFFFF  }
0xad: {  	[dreg:$0x0] =	wrdreg $0x60  }
0xae: {  	[dreg:$0x2] =	wrdreg s24  }
0xaf: {  	[dreg:$0x3] =	wrdreg s2  }
0xb0: {  	[dreg:$0x4] =	wrdreg $0xB7800  }
0xb1: {  	[dreg:$0x5] =	wrdreg $0x9  }
0xb2: {  	_ =	task.clear_ibuf [dreg:s7], $0x6FFFF;
	_ =	strace $0x90000049  }
0xb3: {  	s29 =	simm.s32 $0x9;
	_ =	strace $0x8000004B  }
0xb4: {  	_ =	swait.ge [sflag:s29], $0x1  }
0xb5: {  	[sflag:s29] =	ssyncadd.s32 $0xFFFFFFFF  }
0xb6: {  	_ =	strace $0x9000004B  }
0xb7: {  	_ =	sfence  }
0xb8: {  	s30 =	sld [smem:$0x0];
	_ =	sdelay $0x2  }
0xb9: {  	s31 =	sshll.u32 s1, $0xD;
	s1 =	sshrl.u32 s1, $0x2  }
0xba: {  	s3 =	sand.u32 $0x4000, s31;
	s1 =	sadd.s32 s1, s30  }
0xbb: {  	s0 =	sor.u32 s3, s0;
	s1 =	sshll.u32 s1, $0x11  }
0xbc: {  	s0 =	sor.u32 s1, s0  }
0xbd: {  	s0 =	sadd.s32 $0x8F2B, s0  }
0xbe: {  	[sflag:s0] =	ssyncadd.remote.s32 $0x1  }
0xbf: {  	_ =	sfence.sel $0xFFFF  }
0xc0: {  	[dreg:$0x0] =	wrdreg $0xFFFFFFFF;
	(pc) =	sbr.abs _section_cstart, $3  }
0xc1: {  	[dreg:$0x1] =	wrdreg $0xFFFFFFFF  }
0xc2: {  	_ =	task.clear_ibuf [dreg:s7], $0x2FFFF;
	_ =	strace $0x9FFFFFFF  }
0xc3: {  	(tm) =	ssettm $0x7FFFFFFF  }
tec
execute0_lowered:
.L_overlay_start_1:
0x0: {  	(tag) =	ssettag $0x1  }
0x1: {  	s6 =	rddreg [dreg:$0x0]  }
0x2: {  	s0 =	srdreg.scid;
	s8 =	rddreg [dreg:$0x1]  }
0x3: {  	s2 =	rddreg [dreg:$0x2];
	s16 =	simm.s32 $0x50;
	s17 =	simm.s32 $0x6780  }
0x4: {  	s18 =	simm.s32 $0x8F80;
	s19 =	simm.s32 $0x1;
	s20 =	simm.s32 $0x2  }
0x5: {  	s21 =	simm.s32 $0x6580;
	s5 =	sand.u32 $0x1, s0;
	s0 =	stileid.u32  }
0x6: {  	s22 =	simm.s32 $0x6600;
	s23 =	simm.s32 $0x0;
	s26 =	smul.u32 $0x14000, s0  }
0x7: {  	s1 =	sshll.u32 s5, $0x4;
	s3 =	sshll.u32 s0, $0x7;
	s10 =	smul.u32 $0x140000, s5  }
0x8: {  	s5 =	ssub.s32 $0x2, s5;
	s28 =	smul.u32 $0x50000, s0;
	s14 =	sshll.u32 s0, $0x6  }
0x9: {  	s7 =	sor.u32 s0, s1;
	s9 =	sand.u32 $0x380, s3;
	s3 =	simm.s32 $0x0  }
0xa: {  	s29 =	sshrl.u32 s5, $0x1;
	s14 =	sor.u32 $0x1C03, s14;
	s1 =	sshrl.u32 s7, $0x3  }
0xb: {  	[smem:$0x7FF] =	sst s3;
	s12 =	sshrl.u32 s26, $0x3;
	s13 =	ssub.s32 s5, s29  }
0xc: {  	s30 =	sshll.u32 s7, $0xB;
	s31 =	sshrl.u32 s28, $0x2;
	s4 =	smul.u32 $0x13C00, s1  }
0xd: {  	s1 =	rddreg [dreg:$0x3];
	_ =	strace $0x8000004A;
	s12 =	sadd.s32 s12, s6  }
0xe: {  	s15 =	sadd.s32 s31, s2;
	s7 =	sadd.s32 $0x34E00, s12;
	s12 =	simm.s32 $0x3  }
0xf: {  	s15 =	sshrl.u32 s15, $0x3;
	s4 =	sor.u32 s9, s4;
	s9 =	sadd.s32 s26, s10  }
0x10: {  	s10 =	simm.s32 $0x80;
	s4 =	sshrl.u32 s4, $0x3;
	s9 =	sshrl.u32 s9, $0x3  }
0x11: {  	s11 =	sadd.s32 s4, s6;
	s4 =	sadd.s32 $0xCE00, s6;
	s9 =	sadd.s32 s9, s6  }
0x12: {  	s6 =	sadd.s32 s8, s30;
	s5 =	sadd.s32 $0x3000, s11;
	s8 =	sadd.s32 $0x5DE00, s9  }
0x13: {  	s9 =	smax.u32 s13, $0x1;
	s11 =	simm.s32 $0x400;
	s13 =	simm.s32 $0x2780  }
.LBB2_1:
0x14: {  	[tilespmem:s3], [sflag:$0x3] =	stream.strided.gather [hbm4b:s5+s10], $0x2780, s11, s10, $0x38;
	[tilespmem:$0x1F780] =	vst v63  }
0x15: {  	_ =	swait.ge [sflag:s12], $0x2780  }
0x16: {  	[sflag:s12] =	ssyncset.done $0x0  }
0x17: {  	[sflag:s12] =	ssyncadd.s32 $0xFFFFD880  }
0x18: {  	[tilespmem:s13], [sflag:$0x3] =	stream.linear.gather [hbm4b:s6+s3], $0x3F00, $0x38;
	[tilespmem:$0x1F780] =	vst v63  }
0x19: {  	_ =	swait.ge [sflag:s12], $0x3F00  }
0x1a: {  	[sflag:s12] =	ssyncset.done $0x0  }
0x1b: {  	[sflag:s12] =	ssyncadd.s32 $0xFFFFC100  }
0x1c: {  	[spmem:s15], [sflag:s14] =	dma.local [hbm:s7], $0x2800  }
0x1d: {  	_ =	swait.ge [sflag:s12], $0x2800  }
0x1e: {  	[sflag:s12] =	ssyncset.done $0x0  }
0x1f: {  	[sflag:s12] =	ssyncadd.s32 $0xFFFFD800  }
0x20: {  	[bflag:$0x0] =	sbarrier.arrive $0xFFFF  }
0x21: {  	[tilespmem:s17], [sflag:$0x1] =	stream.indirect.gather [hbm4b:s4+s16], $0x80, s3, s16, $0xb8;
	[tilespmem:$0x1F780] =	vst v63  }
0x22: {  	_ = 	snop  }
0x23: {  	[tilespmem:s18], [sflag:$0x2] =	stream.indirect.gather [hbm4b:s4+s16], $0x80, s16, s16, $0xb8;
	[tilespmem:$0x1F780] =	vst v63  }
0x24: {  	_ =	swait.ge [sflag:s19], $0x2800  }
0x25: {  	[sflag:s19] =	ssyncset.done $0x0  }
0x26: {  	s24 =	simm.s32 $0x2780;
	[sflag:s19] =	ssyncadd.s32 $0xFFFFD800  }
0x27: {  	[spmem:s2] =	stream.indirect.scatter.add.f32 [tilespmem:s17], [sflag:$0x3], $0x80, s24, s16, $0xb8;
	[tilespmem:$0x1F780] =	vst v63  }
0x28: {  	_ =	swait.ge [sflag:s12], $0x2800  }
0x29: {  	[sflag:s12] =	ssyncset.done $0x0  }
0x2a: {  	s30 =	simm.s32 $0xA0;
	[sflag:s12] =	ssyncadd.s32 $0xFFFFD800  }
0x2b: {  	[tilespmem:s17], [sflag:$0x1] =	stream.indirect.gather [hbm4b:s4+s16], $0x80, s30, s16, $0xb8;
	[tilespmem:$0x1F780] =	vst v63  }
0x2c: {  	_ =	swait.ge [sflag:s20], $0x2800  }
0x2d: {  	[sflag:s20] =	ssyncset.done $0x0  }
0x2e: {  	s31 =	simm.s32 $0x2800;
	[sflag:s20] =	ssyncadd.s32 $0xFFFFD800  }
0x2f: {  	[spmem:s2] =	stream.indirect.scatter.add.f32 [tilespmem:s18], [sflag:$0x3], $0x80, s31, s16, $0xb8;
	[tilespmem:$0x1F780] =	vst v63  }
0x30: {  	_ =	swait.ge [sflag:s12], $0x2800  }
0x31: {  	s25 =	simm.s32 $0x400;
	[sflag:s12] =	ssyncset.done $0x0  }
0x32: {  	s26 =	simm.s32 $0x190;
	s24 =	simm.s32 $0xF0;
	[sflag:s12] =	ssyncadd.s32 $0xFFFFD800  }
.LBB2_2:
0x33: {  	[tilespmem:s18], [sflag:$0x2] =	stream.indirect.gather [hbm4b:s4+s16], $0x80, s24, s16, $0xb8;
	[tilespmem:$0x1F780] =	vst v63  }
0x34: {  	s28 =	smov.u32 s25;
	s24 =	smov.u32 s26  }
0x35: {  	p0 =	sne.s32 s25, $0xF400;
	s25 =	sadd.s32 $0x400, s25;
	_ =	swait.ge [sflag:s19], $0x2800  }
0x36: {  	s28 =	sshra.s32 s28, $0x2;
	[sflag:s19] =	ssyncset.done $0x0  }
0x37: {  	s29 =	sadd.s32 $0x2780, s28;
	[sflag:s19] =	ssyncadd.s32 $0xFFFFD800  }
0x38: {  	[spmem:s2] =	stream.indirect.scatter.add.f32 [tilespmem:s17], [sflag:$0x3], $0x80, s29, s16, $0xb8;
	[tilespmem:$0x1F780] =	vst v63  }
0x39: {  	_ =	swait.ge [sflag:s12], $0x2800  }
0x3a: {  	[sflag:s12] =	ssyncset.done $0x0  }
0x3b: {  	s29 =	sadd.s32 $0xFFFFFFB0, s26;
	[sflag:s12] =	ssyncadd.s32 $0xFFFFD800  }
0x3c: {  	[tilespmem:s17], [sflag:$0x1] =	stream.indirect.gather [hbm4b:s4+s16], $0x80, s29, s16, $0xb8;
	[tilespmem:$0x1F780] =	vst v63  }
0x3d: {  	_ =	swait.ge [sflag:s20], $0x2800  }
0x3e: {  	[sflag:s20] =	ssyncset.done $0x0  }
.Ltmp0:
0x3f: {  	s28 =	sadd.s32 $0x2800, s28;
	[sflag:s20] =	ssyncadd.s32 $0xFFFFD800;
	(pc) =	sbr.rel @p0 .LBB2_2-.Ltmp0, $4  }
0x40: {  	[spmem:s2] =	stream.indirect.scatter.add.f32 [tilespmem:s18], [sflag:$0x3], $0x80, s28, s16, $0xb8;
	[tilespmem:$0x1F780] =	vst v63  }
0x41: {  	_ =	swait.ge [sflag:s12], $0x2800  }
0x42: {  	[sflag:s12] =	ssyncset.done $0x0  }
0x43: {  	s26 =	sadd.s32 $0xA0, s26;
	[sflag:s12] =	ssyncadd.s32 $0xFFFFD800  }
0x44: {  	[tilespmem:s18], [sflag:$0x2] =	stream.indirect.gather [hbm4b:s4+s16], $0x80, s24, s16, $0xb8;
	[tilespmem:$0x1F780] =	vst v63  }
0x45: {  	_ =	swait.ge [sflag:s19], $0x2800  }
0x46: {  	[sflag:s19] =	ssyncset.done $0x0  }
0x47: {  	[sflag:s19] =	ssyncadd.s32 $0xFFFFD800  }
0x48: {  	[spmem:s2] =	stream.indirect.scatter.add.f32 [tilespmem:s17], [sflag:$0x3], $0x80, s21, s16, $0xb8;
	[tilespmem:$0x1F780] =	vst v63  }
0x49: {  	_ =	swait.ge [sflag:s12], $0x2800  }
0x4a: {  	[sflag:s12] =	ssyncset.done $0x0  }
0x4b: {  	[sflag:s12] =	ssyncadd.s32 $0xFFFFD800  }
0x4c: {  	_ =	swait.ge [sflag:s20], $0x2800  }
0x4d: {  	[sflag:s20] =	ssyncset.done $0x0  }
0x4e: {  	[sflag:s20] =	ssyncadd.s32 $0xFFFFD800  }
0x4f: {  	[spmem:s2] =	stream.indirect.scatter.add.f32 [tilespmem:s18], [sflag:$0x3], $0x80, s22, s16, $0xb8;
	[tilespmem:$0x1F780] =	vst v63  }
0x50: {  	_ =	swait.ge [sflag:s12], $0x2800  }
0x51: {  	s23 =	sadd.s32 $0x1, s23;
	[sflag:s12] =	ssyncset.done $0x0  }
0x52: {  	p0 =	sne.s32 s23, s9;
	[sflag:s12] =	ssyncadd.s32 $0xFFFFD800  }
.Ltmp1:
0x53: {  	[bflag:$0x0] =	sbarrier.arrive $0xFFFF;
	(pc) =	sbr.rel @p0 .LBB2_1-.Ltmp1, $4  }
0x54: {  	[hbm:s8], [sflag:s14] =	dma.local [spmem:s15], $0x2800  }
0x55: {  	_ =	swait.ge [sflag:s12], $0x2800  }
0x56: {  	[sflag:s12] =	ssyncset.done $0x0  }
0x57: {  	[sflag:s12] =	ssyncadd.s32 $0xFFFFD800  }
0x58: {  	_ =	sfence.sel $0x180000  }
0x59: {  	[bflag:$0x0] =	sbarrier.arrive $0xFFFF  }
0x5a: {  	p0 =	sne.s32 s0, $0x0;
	_ =	strace $0x9000004A  }
0x5b: {  	s0 =	sadd.s32 @!p0 $0x100000, s1;
	[bflag:$0x2] =	sbarrier.arrive $0xFFFF  }
0x5c: {  	[sflag:s0] =	ssyncadd.tile.s32 @!p0 $0x1;
	_ =	shalt  }
.Lfunc_end2:
_tile_overlayer_lowered:
.L_overlay_start_2:
0x5d: {  	(tag) =	ssettag $0x2  }
0x5e: {  	s0 =	rddreg [dreg:$0x0];
	s2 =	stileid.u32  }
0x5f: {  	s1 =	rddreg [dreg:$0x1];
	p0 =	sne.s32 s2, $0x0  }
0x60: {  	s3 =	rddreg [dreg:$0x2];
	[bflag:$0x3] =	sbarrier.arrive $0xFFFF;
	s2 =	simm.s32 @!p0 $0x1C03  }
0x61: {  	[timem:s3], [sflag:s2] =	dma.local @!p0 [hbm:s0], s1  }
0x62: {  	s0 =	simm.s32 @!p0 $0x3  }
0x63: {  	_ =	swait.ge @!p0 [sflag:s0], s1  }
0x64: {  	s1 =	ssub.s32 @!p0 $0x0, s1;
	[sflag:s0] =	ssyncset.done @!p0 $0x0  }
0x65: {  	[sflag:s0] =	ssyncadd.s32 @!p0 s1  }
0x66: {  	[bflag:$0x3] =	sbarrier.arrive $0xFFFF  }
0x67: {  	_ =	shalt  }

</sc_bundles>
